<compile_context>
chip_gen: v7x
topology: tpu7x:2x2x1
jax: 0.10.2.dev20260603
libtpu: 0.0.44.dev20260713+nightly
codegen_flags: <defaults>
</compile_context>

<pallas_src>
import functools

import jax
import jax.numpy as jnp
import numpy as np
from jax import lax
from jax.experimental import pallas as pl
from jax.experimental.pallas import tpu as pltpu, tpu_sc as plsc

NUM_CORES = 2
NUM_SUBCORES = 16
NW = NUM_CORES * NUM_SUBCORES
LANES = 16

VOCAB = 1000000
D = 64
SEQ = 20
BATCH = 4096
ROWS = BATCH * SEQ
PER_W = ROWS // NW
CHUNK = 320
CHUNKS = PER_W // CHUNK

_MAGIC = np.int32(0x5F3759DF)


def _rsqrt(x):
    i = plsc.bitcast(x, jnp.int32)
    i = _MAGIC - lax.shift_right_logical(i, 1)
    y = plsc.bitcast(i, jnp.float32)
    neg_half_x = x * np.float32(-0.5)
    for _ in range(3):
        y = y * (neg_half_x * y * y + np.float32(1.5))
    return y


def _ln_row(rows_v, b, row, pos_v, p, gvec, bvec):
    nj = D // LANES
    x = [rows_v[b, row, pl.ds(j * LANES, LANES)]
         + pos_v[p, pl.ds(j * LANES, LANES)]
         for j in range(nj)]
    s = x[0] + x[1] + x[2] + x[3]
    mean = lax.broadcast(jnp.sum(s), (LANES,)) * np.float32(1.0 / D)
    d = [xj - mean for xj in x]
    sq = d[0] * d[0] + d[1] * d[1] + d[2] * d[2] + d[3] * d[3]
    var = lax.broadcast(jnp.sum(sq), (LANES,)) * np.float32(1.0 / D)
    rinv = _rsqrt(var + np.float32(1e-5))
    for j in range(nj):
        rows_v[b, row, pl.ds(j * LANES, LANES)] = (
            d[j] * (rinv * gvec[j]) + bvec[j])


def _body(tok_ref, emb_ref, pos_ref, gam_ref, bet_ref, out_ref,
          idx_v, rows_v, pos_v, gam_v, bet_v, gsem):
    wid = lax.axis_index("s") * NUM_CORES + lax.axis_index("c")
    base = wid * PER_W

    pltpu.sync_copy(tok_ref.at[wid], idx_v)
    pltpu.sync_copy(pos_ref, pos_v)
    pltpu.sync_copy(gam_ref, gam_v)
    pltpu.sync_copy(bet_ref, bet_v)

    def fire_gather(c):
        b = lax.rem(c, np.int32(2))

        def enqueue(g, carry):
            tv = idx_v[pl.ds(c * CHUNK + g * LANES, LANES)]
            for k in range(LANES):
                pltpu.async_copy(
                    emb_ref.at[tv[k]],
                    rows_v.at[b, g * LANES + k],
                    gsem.at[b],
                )
            return carry

        lax.fori_loop(0, CHUNK // LANES, enqueue, np.int32(0))

    def drain_gather(c):
        b = lax.rem(c, np.int32(2))

        def drain(r, carry):
            pltpu.make_async_copy(
                emb_ref.at[0], rows_v.at[b, r], gsem.at[b]).wait()
            return carry

        lax.fori_loop(0, CHUNK, drain, np.int32(0))

    gvec = [gam_v[pl.ds(j * LANES, LANES)] for j in range(D // LANES)]
    bvec = [bet_v[pl.ds(j * LANES, LANES)] for j in range(D // LANES)]

    fire_gather(np.int32(0))

    def chunk_body(c, carry):
        b = lax.rem(c, np.int32(2))
        drain_gather(c)

        @pl.when(c + 1 < CHUNKS)
        def _():
            fire_gather(c + 1)

        def row_body(r, carry2):
            p = lax.rem(r, np.int32(SEQ))
            _ln_row(rows_v, b, r, pos_v, p, gvec, bvec)
            return carry2

        lax.fori_loop(0, CHUNK, row_body, np.int32(0), unroll=4)

        pltpu.sync_copy(
            rows_v.at[b], out_ref.at[pl.ds(base + c * CHUNK, CHUNK)])
        return carry

    lax.fori_loop(0, CHUNKS, chunk_body, np.int32(0))


@functools.partial(
    pl.kernel,
    out_type=jax.ShapeDtypeStruct((ROWS, D), jnp.float32),
    mesh=plsc.VectorSubcoreMesh(
        core_axis_name="c", subcore_axis_name="s",
        num_cores=NUM_CORES, num_subcores=NUM_SUBCORES),
    scratch_types=[
        pltpu.VMEM((PER_W,), jnp.int32),
        pltpu.VMEM((2, CHUNK, D), jnp.float32),
        pltpu.VMEM((SEQ, D), jnp.float32),
        pltpu.VMEM((D,), jnp.float32),
        pltpu.VMEM((D,), jnp.float32),
        pltpu.SemaphoreType.DMA((2,)),
    ],
    compiler_params=pltpu.CompilerParams(
        needs_layout_passes=False, use_tc_tiling_on_sc=True),
)
def _encoder_sc(tok_ref, emb_ref, pos_ref, gam_ref, bet_ref, out_ref,
                idx_v, rows_v, pos_v, gam_v, bet_v, gsem):
    _body(tok_ref, emb_ref, pos_ref, gam_ref, bet_ref, out_ref,
          idx_v, rows_v, pos_v, gam_v, bet_v, gsem)


@jax.jit
def kernel(tokens, embedding, pos_embedding, ln_gamma, ln_beta):
    B, L = tokens.shape
    tok = tokens.astype(jnp.int32).reshape(NW, PER_W)
    out = _encoder_sc(tok, embedding, pos_embedding, ln_gamma, ln_beta)
    return out.reshape(B, L, D)

# --- scband reference (transcript-rebuilt; emitter-appended) ---
"""Pipeline reference for scband-text-encoder-22789096473018 (READ-ONLY COPY).

The authoritative reference and input builder live on the scoring server;
editing this copy changes nothing except your own understanding.
"""

import jax, jax.numpy as jnp
import numpy as np

VOCAB = 1000000
EMBED_DIM = 64
MAX_LEN = 20
BATCH = 4096
L = 20


def setup_inputs(seed: int = 0) -> dict:
    key = jax.random.key(seed)
    k1, k2, k3 = jax.random.split(key, 3)
    tokens = jax.random.randint(k1, (BATCH, L), 0, VOCAB, dtype=jnp.int64 if jax.config.jax_enable_x64 else jnp.int32)
    embedding = jax.random.normal(k2, (VOCAB, EMBED_DIM), dtype=jnp.float32)
    # padding_idx=0: row 0 is zeros (matches torch nn.Embedding padding_idx init)
    embedding = embedding.at[0].set(0.0)
    pos_embedding = jax.random.normal(k3, (MAX_LEN, EMBED_DIM), dtype=jnp.float32)
    ln_gamma = jnp.ones((EMBED_DIM,), dtype=jnp.float32)
    ln_beta = jnp.zeros((EMBED_DIM,), dtype=jnp.float32)
    return {"tokens": tokens, "embedding": embedding, "pos_embedding": pos_embedding,
            "ln_gamma": ln_gamma, "ln_beta": ln_beta}


def _layer_norm(x, gamma, beta, eps=1e-5):
    mean = jnp.mean(x, axis=-1, keepdims=True)
    var = jnp.mean(jnp.square(x - mean), axis=-1, keepdims=True)
    xhat = (x - mean) / jnp.sqrt(var + eps)
    return xhat * gamma + beta


def reference(tokens, embedding, pos_embedding, ln_gamma, ln_beta):
    B, Lq = tokens.shape
    pos = jnp.arange(Lq)[None, :]  # [1, L]
    x = jnp.take(embedding, tokens, axis=0) + jnp.take(pos_embedding, pos, axis=0)
    return _layer_norm(x, ln_gamma, ln_beta)

if __name__ == "__main__":
    import jax
    _d = setup_inputs()
    print(jax.jit(kernel)(*tuple(_d.values())))

</pallas_src>

<mosaic_0001>
#map = affine_map<(d0, d1) -> (0, 0)>
#map1 = affine_map<(d0, d1) -> (0)>
module attributes {stable_mosaic.version = 14 : i64} {
  func.func @_encoder_sc(%arg0: i32, %arg1: i32, %arg2: memref<32x2560xi32, #tpu.memory_space<hbm>>, %arg3: memref<1000000x64xf32, #tpu.memory_space<hbm>>, %arg4: memref<20x64xf32, #tpu.memory_space<hbm>>, %arg5: memref<64xf32, #tpu.memory_space<hbm>>, %arg6: memref<64xf32, #tpu.memory_space<hbm>>, %arg7: memref<81920x64xf32, #tpu.memory_space<hbm>>, %arg8: memref<2560xi32, #tpu.memory_space<vmem>>, %arg9: memref<2x320x64xf32, #tpu.memory_space<vmem>>, %arg10: memref<20x64xf32, #tpu.memory_space<vmem>>, %arg11: memref<64xf32, #tpu.memory_space<vmem>>, %arg12: memref<64xf32, #tpu.memory_space<vmem>>, %arg13: memref<2x!tpu.dma_semaphore, #tpu.memory_space<semaphore_mem>>) attributes {dimension_semantics = [#tpu.dimension_semantics<core_parallel>, #tpu.dimension_semantics<subcore_parallel>], iteration_bounds = array<i64: 2, 16>, scalar_prefetch = 0 : i64, scratch_operands = 6 : i64, tpu.core_type = #tpu.core_type<sc_vector_subcore>, window_params = [{transform_indices = #map}, {transform_indices = #map}, {transform_indices = #map}, {transform_indices = #map1}, {transform_indices = #map1}, {transform_indices = #map}]} {
    %mul3A = arith.constant 2 : i32
    %mul3A_0 = arith.muli %arg1, %mul3A : i32
    %add3A = arith.addi %mul3A_0, %arg0 : i32
    %mul3A_1 = arith.constant 2560 : i32
    %mul3A_2 = arith.muli %add3A, %mul3A_1 : i32
    "tpu.region"() ({
      %run_scoped3A = tpu.sem_alloc : memref<!tpu.dma_semaphore, #tpu.memory_space<semaphore_mem>>
      %dma_start3A = arith.constant 0 : i32
      %dma_start3A_31 = tpu.memref_slice %arg2[%add3A, %dma_start3A] : memref<32x2560xi32, #tpu.memory_space<hbm>> -> memref<1x2560xi32, #tpu.memory_space<hbm>>
      %dma_start3A_32 = tpu.memref_squeeze %dma_start3A_31 : memref<1x2560xi32, #tpu.memory_space<hbm>> -> memref<2560xi32, #tpu.memory_space<hbm>>
      %dma_start3A_33 = arith.constant 0 : i32
      %dma_start3A_34 = tpu.memref_slice %arg2[%add3A, %dma_start3A_33] : memref<32x2560xi32, #tpu.memory_space<hbm>> -> memref<1x2560xi32, #tpu.memory_space<hbm>>
      %dma_start3A_35 = tpu.memref_squeeze %dma_start3A_34 : memref<1x2560xi32, #tpu.memory_space<hbm>> -> memref<2560xi32, #tpu.memory_space<hbm>>
      tpu.enqueue_dma source(%dma_start3A_35 : memref<2560xi32, #tpu.memory_space<hbm>>) target(%arg8 : memref<2560xi32, #tpu.memory_space<vmem>>) target_semaphore(%run_scoped3A : memref<!tpu.dma_semaphore, #tpu.memory_space<semaphore_mem>>)
      %dma_wait3A = arith.constant 0 : i32
      %dma_wait3A_36 = tpu.memref_slice %arg2[%add3A, %dma_wait3A] : memref<32x2560xi32, #tpu.memory_space<hbm>> -> memref<1x2560xi32, #tpu.memory_space<hbm>>
      %dma_wait3A_37 = tpu.memref_squeeze %dma_wait3A_36 : memref<1x2560xi32, #tpu.memory_space<hbm>> -> memref<2560xi32, #tpu.memory_space<hbm>>
      %dma_wait3A_38 = arith.constant 0 : i32
      %dma_wait3A_39 = tpu.memref_slice %arg2[%add3A, %dma_wait3A_38] : memref<32x2560xi32, #tpu.memory_space<hbm>> -> memref<1x2560xi32, #tpu.memory_space<hbm>>
      %dma_wait3A_40 = tpu.memref_squeeze %dma_wait3A_39 : memref<1x2560xi32, #tpu.memory_space<hbm>> -> memref<2560xi32, #tpu.memory_space<hbm>>
      tpu.wait_dma2 semaphore(%run_scoped3A : memref<!tpu.dma_semaphore, #tpu.memory_space<semaphore_mem>>) src(%dma_wait3A_40 : memref<2560xi32, #tpu.memory_space<hbm>>) dst(%arg8 : memref<2560xi32, #tpu.memory_space<vmem>>)
      tpu.yield
    }) : () -> ()
    "tpu.region"() ({
      %run_scoped3A = tpu.sem_alloc : memref<!tpu.dma_semaphore, #tpu.memory_space<semaphore_mem>>
      tpu.enqueue_dma source(%arg4 : memref<20x64xf32, #tpu.memory_space<hbm>>) target(%arg10 : memref<20x64xf32, #tpu.memory_space<vmem>>) target_semaphore(%run_scoped3A : memref<!tpu.dma_semaphore, #tpu.memory_space<semaphore_mem>>)
      tpu.wait_dma2 semaphore(%run_scoped3A : memref<!tpu.dma_semaphore, #tpu.memory_space<semaphore_mem>>) src(%arg4 : memref<20x64xf32, #tpu.memory_space<hbm>>) dst(%arg10 : memref<20x64xf32, #tpu.memory_space<vmem>>)
      tpu.yield
    }) : () -> ()
    "tpu.region"() ({
      %run_scoped3A = tpu.sem_alloc : memref<!tpu.dma_semaphore, #tpu.memory_space<semaphore_mem>>
      tpu.enqueue_dma source(%arg5 : memref<64xf32, #tpu.memory_space<hbm>>) target(%arg11 : memref<64xf32, #tpu.memory_space<vmem>>) target_semaphore(%run_scoped3A : memref<!tpu.dma_semaphore, #tpu.memory_space<semaphore_mem>>)
      tpu.wait_dma2 semaphore(%run_scoped3A : memref<!tpu.dma_semaphore, #tpu.memory_space<semaphore_mem>>) src(%arg5 : memref<64xf32, #tpu.memory_space<hbm>>) dst(%arg11 : memref<64xf32, #tpu.memory_space<vmem>>)
      tpu.yield
    }) : () -> ()
    "tpu.region"() ({
      %run_scoped3A = tpu.sem_alloc : memref<!tpu.dma_semaphore, #tpu.memory_space<semaphore_mem>>
      tpu.enqueue_dma source(%arg6 : memref<64xf32, #tpu.memory_space<hbm>>) target(%arg12 : memref<64xf32, #tpu.memory_space<vmem>>) target_semaphore(%run_scoped3A : memref<!tpu.dma_semaphore, #tpu.memory_space<semaphore_mem>>)
      tpu.wait_dma2 semaphore(%run_scoped3A : memref<!tpu.dma_semaphore, #tpu.memory_space<semaphore_mem>>) src(%arg6 : memref<64xf32, #tpu.memory_space<hbm>>) dst(%arg12 : memref<64xf32, #tpu.memory_space<vmem>>)
      tpu.yield
    }) : () -> ()
    %get3A = arith.constant 0 : index
    %get3A_3 = tpu.vector_load %arg11[%get3A] {strides = array<i32>} : memref<64xf32, #tpu.memory_space<vmem>>, vector<16xf32>,
    %get3A_4 = arith.constant 16 : index
    %get3A_5 = tpu.vector_load %arg11[%get3A_4] {strides = array<i32>} : memref<64xf32, #tpu.memory_space<vmem>>, vector<16xf32>,
    %get3A_6 = arith.constant 32 : index
    %get3A_7 = tpu.vector_load %arg11[%get3A_6] {strides = array<i32>} : memref<64xf32, #tpu.memory_space<vmem>>, vector<16xf32>,
    %get3A_8 = arith.constant 48 : index
    %get3A_9 = tpu.vector_load %arg11[%get3A_8] {strides = array<i32>} : memref<64xf32, #tpu.memory_space<vmem>>, vector<16xf32>,
    %get3A_10 = arith.constant 0 : index
    %get3A_11 = tpu.vector_load %arg12[%get3A_10] {strides = array<i32>} : memref<64xf32, #tpu.memory_space<vmem>>, vector<16xf32>,
    %get3A_12 = arith.constant 16 : index
    %get3A_13 = tpu.vector_load %arg12[%get3A_12] {strides = array<i32>} : memref<64xf32, #tpu.memory_space<vmem>>, vector<16xf32>,
    %get3A_14 = arith.constant 32 : index
    %get3A_15 = tpu.vector_load %arg12[%get3A_14] {strides = array<i32>} : memref<64xf32, #tpu.memory_space<vmem>>, vector<16xf32>,
    %get3A_16 = arith.constant 48 : index
    %get3A_17 = tpu.vector_load %arg12[%get3A_16] {strides = array<i32>} : memref<64xf32, #tpu.memory_space<vmem>>, vector<16xf32>,
    %rem3A = arith.constant 0 : i32
    %rem3A_18 = arith.constant 2 : i32
    %rem3A_19 = arith.remsi %rem3A, %rem3A_18 : i32
    %scan3A = arith.constant 0 : i32
    %scan3A_20 = arith.constant 0 : i32
    %scan3A_21 = arith.constant 20 : i32
    %scan3A_22 = arith.addi %scan3A_20, %scan3A_21 : i32
    %scan3A_23 = arith.constant 1 : i32
    scf.for %scan3A_31 = %scan3A_20 to %scan3A_22 step %scan3A_23  : i32 {
      %mul3A_32 = arith.constant 16 : i32
      %mul3A_33 = arith.muli %scan3A_31, %mul3A_32 : i32
      %add3A_34 = arith.constant 0 : i32
      %add3A_35 = arith.addi %add3A_34, %mul3A_33 : i32
      %get3A_36 = arith.index_cast %add3A_35 : i32 to index
      %get3A_37 = tpu.vector_load %arg8[%get3A_36] {strides = array<i32>} : memref<2560xi32, #tpu.memory_space<vmem>>, vector<16xi32>,
      %slice3A = vector.extract_strided_slice %get3A_37 {offsets = [0], sizes = [1], strides = [1]} : vector<16xi32> to vector<1xi32>
      %squeeze3A = vector.extract %slice3A[0] : i32 from vector<1xi32>
      %mul3A_38 = arith.constant 16 : i32
      %mul3A_39 = arith.muli %scan3A_31, %mul3A_38 : i32
      %add3A_40 = arith.constant 0 : i32
      %add3A_41 = arith.addi %mul3A_39, %add3A_40 : i32
      %dma_start3A = arith.constant 0 : i32
      %dma_start3A_42 = tpu.memref_slice %arg9[%rem3A_19, %add3A_41, %dma_start3A] : memref<2x320x64xf32, #tpu.memory_space<vmem>> -> memref<1x1x64xf32, #tpu.memory_space<vmem>>
      %dma_start3A_43 = tpu.memref_squeeze %dma_start3A_42 : memref<1x1x64xf32, #tpu.memory_space<vmem>> -> memref<64xf32, #tpu.memory_space<vmem>>
      %dma_start3A_44 = arith.constant 0 : i32
      %dma_start3A_45 = tpu.memref_slice %arg3[%squeeze3A, %dma_start3A_44] : memref<1000000x64xf32, #tpu.memory_space<hbm>> -> memref<1x64xf32, #tpu.memory_space<hbm>>
      %dma_start3A_46 = tpu.memref_squeeze %dma_start3A_45 : memref<1x64xf32, #tpu.memory_space<hbm>> -> memref<64xf32, #tpu.memory_space<hbm>>
      %dma_start3A_47 = tpu.memref_slice %arg13[%rem3A_19] : memref<2x!tpu.dma_semaphore, #tpu.memory_space<semaphore_mem>> -> memref<1x!tpu.dma_semaphore, #tpu.memory_space<semaphore_mem>>
      %dma_start3A_48 = tpu.memref_squeeze %dma_start3A_47 : memref<1x!tpu.dma_semaphore, #tpu.memory_space<semaphore_mem>> -> memref<!tpu.dma_semaphore, #tpu.memory_space<semaphore_mem>>
      %dma_start3A_49 = arith.constant 0 : i32
      %dma_start3A_50 = tpu.memref_slice %arg9[%rem3A_19, %add3A_41, %dma_start3A_49] : memref<2x320x64xf32, #tpu.memory_space<vmem>> -> memref<1x1x64xf32, #tpu.memory_space<vmem>>
      %dma_start3A_51 = tpu.memref_squeeze %dma_start3A_50 : memref<1x1x64xf32, #tpu.memory_space<vmem>> -> memref<64xf32, #tpu.memory_space<vmem>>
      %dma_start3A_52 = arith.constant 0 : i32
      %dma_start3A_53 = tpu.memref_slice %arg3[%squeeze3A, %dma_start3A_52] : memref<1000000x64xf32, #tpu.memory_space<hbm>> -> memref<1x64xf32, #tpu.memory_space<hbm>>
      %dma_start3A_54 = tpu.memref_squeeze %dma_start3A_53 : memref<1x64xf32, #tpu.memory_space<hbm>> -> memref<64xf32, #tpu.memory_space<hbm>>
      tpu.enqueue_dma source(%dma_start3A_54 : memref<64xf32, #tpu.memory_space<hbm>>) target(%dma_start3A_51 : memref<64xf32, #tpu.memory_space<vmem>>) target_semaphore(%dma_start3A_48 : memref<!tpu.dma_semaphore, #tpu.memory_space<semaphore_mem>>)
      %slice3A_55 = vector.extract_strided_slice %get3A_37 {offsets = [1], sizes = [1], strides = [1]} : vector<16xi32> to vector<1xi32>
      %squeeze3A_56 = vector.extract %slice3A_55[0] : i32 from vector<1xi32>
      %mul3A_57 = arith.constant 16 : i32
      %mul3A_58 = arith.muli %scan3A_31, %mul3A_57 : i32
      %add3A_59 = arith.constant 1 : i32
      %add3A_60 = arith.addi %mul3A_58, %add3A_59 : i32
      %dma_start3A_61 = arith.constant 0 : i32
      %dma_start3A_62 = tpu.memref_slice %arg9[%rem3A_19, %add3A_60, %dma_start3A_61] : memref<2x320x64xf32, #tpu.memory_space<vmem>> -> memref<1x1x64xf32, #tpu.memory_space<vmem>>
      %dma_start3A_63 = tpu.memref_squeeze %dma_start3A_62 : memref<1x1x64xf32, #tpu.memory_space<vmem>> -> memref<64xf32, #tpu.memory_space<vmem>>
      %dma_start3A_64 = arith.constant 0 : i32
      %dma_start3A_65 = tpu.memref_slice %arg3[%squeeze3A_56, %dma_start3A_64] : memref<1000000x64xf32, #tpu.memory_space<hbm>> -> memref<1x64xf32, #tpu.memory_space<hbm>>
      %dma_start3A_66 = tpu.memref_squeeze %dma_start3A_65 : memref<1x64xf32, #tpu.memory_space<hbm>> -> memref<64xf32, #tpu.memory_space<hbm>>
      %dma_start3A_67 = tpu.memref_slice %arg13[%rem3A_19] : memref<2x!tpu.dma_semaphore, #tpu.memory_space<semaphore_mem>> -> memref<1x!tpu.dma_semaphore, #tpu.memory_space<semaphore_mem>>
      %dma_start3A_68 = tpu.memref_squeeze %dma_start3A_67 : memref<1x!tpu.dma_semaphore, #tpu.memory_space<semaphore_mem>> -> memref<!tpu.dma_semaphore, #tpu.memory_space<semaphore_mem>>
      %dma_start3A_69 = arith.constant 0 : i32
      %dma_start3A_70 = tpu.memref_slice %arg9[%rem3A_19, %add3A_60, %dma_start3A_69] : memref<2x320x64xf32, #tpu.memory_space<vmem>> -> memref<1x1x64xf32, #tpu.memory_space<vmem>>
      %dma_start3A_71 = tpu.memref_squeeze %dma_start3A_70 : memref<1x1x64xf32, #tpu.memory_space<vmem>> -> memref<64xf32, #tpu.memory_space<vmem>>
      %dma_start3A_72 = arith.constant 0 : i32
      %dma_start3A_73 = tpu.memref_slice %arg3[%squeeze3A_56, %dma_start3A_72] : memref<1000000x64xf32, #tpu.memory_space<hbm>> -> memref<1x64xf32, #tpu.memory_space<hbm>>
      %dma_start3A_74 = tpu.memref_squeeze %dma_start3A_73 : memref<1x64xf32, #tpu.memory_space<hbm>> -> memref<64xf32, #tpu.memory_space<hbm>>
      tpu.enqueue_dma source(%dma_start3A_74 : memref<64xf32, #tpu.memory_space<hbm>>) target(%dma_start3A_71 : memref<64xf32, #tpu.memory_space<vmem>>) target_semaphore(%dma_start3A_68 : memref<!tpu.dma_semaphore, #tpu.memory_space<semaphore_mem>>)
      %slice3A_75 = vector.extract_strided_slice %get3A_37 {offsets = [2], sizes = [1], strides = [1]} : vector<16xi32> to vector<1xi32>
      %squeeze3A_76 = vector.extract %slice3A_75[0] : i32 from vector<1xi32>
      %mul3A_77 = arith.constant 16 : i32
      %mul3A_78 = arith.muli %scan3A_31, %mul3A_77 : i32
      %add3A_79 = arith.constant 2 : i32
      %add3A_80 = arith.addi %mul3A_78, %add3A_79 : i32
      %dma_start3A_81 = arith.constant 0 : i32
      %dma_start3A_82 = tpu.memref_slice %arg9[%rem3A_19, %add3A_80, %dma_start3A_81] : memref<2x320x64xf32, #tpu.memory_space<vmem>> -> memref<1x1x64xf32, #tpu.memory_space<vmem>>
      %dma_start3A_83 = tpu.memref_squeeze %dma_start3A_82 : memref<1x1x64xf32, #tpu.memory_space<vmem>> -> memref<64xf32, #tpu.memory_space<vmem>>
      %dma_start3A_84 = arith.constant 0 : i32
      %dma_start3A_85 = tpu.memref_slice %arg3[%squeeze3A_76, %dma_start3A_84] : memref<1000000x64xf32, #tpu.memory_space<hbm>> -> memref<1x64xf32, #tpu.memory_space<hbm>>
      %dma_start3A_86 = tpu.memref_squeeze %dma_start3A_85 : memref<1x64xf32, #tpu.memory_space<hbm>> -> memref<64xf32, #tpu.memory_space<hbm>>
      %dma_start3A_87 = tpu.memref_slice %arg13[%rem3A_19] : memref<2x!tpu.dma_semaphore, #tpu.memory_space<semaphore_mem>> -> memref<1x!tpu.dma_semaphore, #tpu.memory_space<semaphore_mem>>
      %dma_start3A_88 = tpu.memref_squeeze %dma_start3A_87 : memref<1x!tpu.dma_semaphore, #tpu.memory_space<semaphore_mem>> -> memref<!tpu.dma_semaphore, #tpu.memory_space<semaphore_mem>>
      %dma_start3A_89 = arith.constant 0 : i32
      %dma_start3A_90 = tpu.memref_slice %arg9[%rem3A_19, %add3A_80, %dma_start3A_89] : memref<2x320x64xf32, #tpu.memory_space<vmem>> -> memref<1x1x64xf32, #tpu.memory_space<vmem>>
      %dma_start3A_91 = tpu.memref_squeeze %dma_start3A_90 : memref<1x1x64xf32, #tpu.memory_space<vmem>> -> memref<64xf32, #tpu.memory_space<vmem>>
      %dma_start3A_92 = arith.constant 0 : i32
      %dma_start3A_93 = tpu.memref_slice %arg3[%squeeze3A_76, %dma_start3A_92] : memref<1000000x64xf32, #tpu.memory_space<hbm>> -> memref<1x64xf32, #tpu.memory_space<hbm>>
      %dma_start3A_94 = tpu.memref_squeeze %dma_start3A_93 : memref<1x64xf32, #tpu.memory_space<hbm>> -> memref<64xf32, #tpu.memory_space<hbm>>
      tpu.enqueue_dma source(%dma_start3A_94 : memref<64xf32, #tpu.memory_space<hbm>>) target(%dma_start3A_91 : memref<64xf32, #tpu.memory_space<vmem>>) target_semaphore(%dma_start3A_88 : memref<!tpu.dma_semaphore, #tpu.memory_space<semaphore_mem>>)
      %slice3A_95 = vector.extract_strided_slice %get3A_37 {offsets = [3], sizes = [1], strides = [1]} : vector<16xi32> to vector<1xi32>
      %squeeze3A_96 = vector.extract %slice3A_95[0] : i32 from vector<1xi32>
      %mul3A_97 = arith.constant 16 : i32
      %mul3A_98 = arith.muli %scan3A_31, %mul3A_97 : i32
      %add3A_99 = arith.constant 3 : i32
      %add3A_100 = arith.addi %mul3A_98, %add3A_99 : i32
      %dma_start3A_101 = arith.constant 0 : i32
      %dma_start3A_102 = tpu.memref_slice %arg9[%rem3A_19, %add3A_100, %dma_start3A_101] : memref<2x320x64xf32, #tpu.memory_space<vmem>> -> memref<1x1x64xf32, #tpu.memory_space<vmem>>
      %dma_start3A_103 = tpu.memref_squeeze %dma_start3A_102 : memref<1x1x64xf32, #tpu.memory_space<vmem>> -> memref<64xf32, #tpu.memory_space<vmem>>
      %dma_start3A_104 = arith.constant 0 : i32
      %dma_start3A_105 = tpu.memref_slice %arg3[%squeeze3A_96, %dma_start3A_104] : memref<1000000x64xf32, #tpu.memory_space<hbm>> -> memref<1x64xf32, #tpu.memory_space<hbm>>
      %dma_start3A_106 = tpu.memref_squeeze %dma_start3A_105 : memref<1x64xf32, #tpu.memory_space<hbm>> -> memref<64xf32, #tpu.memory_space<hbm>>
      %dma_start3A_107 = tpu.memref_slice %arg13[%rem3A_19] : memref<2x!tpu.dma_semaphore, #tpu.memory_space<semaphore_mem>> -> memref<1x!tpu.dma_semaphore, #tpu.memory_space<semaphore_mem>>
      %dma_start3A_108 = tpu.memref_squeeze %dma_start3A_107 : memref<1x!tpu.dma_semaphore, #tpu.memory_space<semaphore_mem>> -> memref<!tpu.dma_semaphore, #tpu.memory_space<semaphore_mem>>
      %dma_start3A_109 = arith.constant 0 : i32
      %dma_start3A_110 = tpu.memref_slice %arg9[%rem3A_19, %add3A_100, %dma_start3A_109] : memref<2x320x64xf32, #tpu.memory_space<vmem>> -> memref<1x1x64xf32, #tpu.memory_space<vmem>>
      %dma_start3A_111 = tpu.memref_squeeze %dma_start3A_110 : memref<1x1x64xf32, #tpu.memory_space<vmem>> -> memref<64xf32, #tpu.memory_space<vmem>>
      %dma_start3A_112 = arith.constant 0 : i32
      %dma_start3A_113 = tpu.memref_slice %arg3[%squeeze3A_96, %dma_start3A_112] : memref<1000000x64xf32, #tpu.memory_space<hbm>> -> memref<1x64xf32, #tpu.memory_space<hbm>>
      %dma_start3A_114 = tpu.memref_squeeze %dma_start3A_113 : memref<1x64xf32, #tpu.memory_space<hbm>> -> memref<64xf32, #tpu.memory_space<hbm>>
      tpu.enqueue_dma source(%dma_start3A_114 : memref<64xf32, #tpu.memory_space<hbm>>) target(%dma_start3A_111 : memref<64xf32, #tpu.memory_space<vmem>>) target_semaphore(%dma_start3A_108 : memref<!tpu.dma_semaphore, #tpu.memory_space<semaphore_mem>>)
      %slice3A_115 = vector.extract_strided_slice %get3A_37 {offsets = [4], sizes = [1], strides = [1]} : vector<16xi32> to vector<1xi32>
      %squeeze3A_116 = vector.extract %slice3A_115[0] : i32 from vector<1xi32>
      %mul3A_117 = arith.constant 16 : i32
      %mul3A_118 = arith.muli %scan3A_31, %mul3A_117 : i32
      %add3A_119 = arith.constant 4 : i32
      %add3A_120 = arith.addi %mul3A_118, %add3A_119 : i32
      %dma_start3A_121 = arith.constant 0 : i32
      %dma_start3A_122 = tpu.memref_slice %arg9[%rem3A_19, %add3A_120, %dma_start3A_121] : memref<2x320x64xf32, #tpu.memory_space<vmem>> -> memref<1x1x64xf32, #tpu.memory_space<vmem>>
      %dma_start3A_123 = tpu.memref_squeeze %dma_start3A_122 : memref<1x1x64xf32, #tpu.memory_space<vmem>> -> memref<64xf32, #tpu.memory_space<vmem>>
      %dma_start3A_124 = arith.constant 0 : i32
      %dma_start3A_125 = tpu.memref_slice %arg3[%squeeze3A_116, %dma_start3A_124] : memref<1000000x64xf32, #tpu.memory_space<hbm>> -> memref<1x64xf32, #tpu.memory_space<hbm>>
      %dma_start3A_126 = tpu.memref_squeeze %dma_start3A_125 : memref<1x64xf32, #tpu.memory_space<hbm>> -> memref<64xf32, #tpu.memory_space<hbm>>
      %dma_start3A_127 = tpu.memref_slice %arg13[%rem3A_19] : memref<2x!tpu.dma_semaphore, #tpu.memory_space<semaphore_mem>> -> memref<1x!tpu.dma_semaphore, #tpu.memory_space<semaphore_mem>>
      %dma_start3A_128 = tpu.memref_squeeze %dma_start3A_127 : memref<1x!tpu.dma_semaphore, #tpu.memory_space<semaphore_mem>> -> memref<!tpu.dma_semaphore, #tpu.memory_space<semaphore_mem>>
      %dma_start3A_129 = arith.constant 0 : i32
      %dma_start3A_130 = tpu.memref_slice %arg9[%rem3A_19, %add3A_120, %dma_start3A_129] : memref<2x320x64xf32, #tpu.memory_space<vmem>> -> memref<1x1x64xf32, #tpu.memory_space<vmem>>
      %dma_start3A_131 = tpu.memref_squeeze %dma_start3A_130 : memref<1x1x64xf32, #tpu.memory_space<vmem>> -> memref<64xf32, #tpu.memory_space<vmem>>
      %dma_start3A_132 = arith.constant 0 : i32
      %dma_start3A_133 = tpu.memref_slice %arg3[%squeeze3A_116, %dma_start3A_132] : memref<1000000x64xf32, #tpu.memory_space<hbm>> -> memref<1x64xf32, #tpu.memory_space<hbm>>
      %dma_start3A_134 = tpu.memref_squeeze %dma_start3A_133 : memref<1x64xf32, #tpu.memory_space<hbm>> -> memref<64xf32, #tpu.memory_space<hbm>>
      tpu.enqueue_dma source(%dma_start3A_134 : memref<64xf32, #tpu.memory_space<hbm>>) target(%dma_start3A_131 : memref<64xf32, #tpu.memory_space<vmem>>) target_semaphore(%dma_start3A_128 : memref<!tpu.dma_semaphore, #tpu.memory_space<semaphore_mem>>)
      %slice3A_135 = vector.extract_strided_slice %get3A_37 {offsets = [5], sizes = [1], strides = [1]} : vector<16xi32> to vector<1xi32>
      %squeeze3A_136 = vector.extract %slice3A_135[0] : i32 from vector<1xi32>
      %mul3A_137 = arith.constant 16 : i32
      %mul3A_138 = arith.muli %scan3A_31, %mul3A_137 : i32
      %add3A_139 = arith.constant 5 : i32
      %add3A_140 = arith.addi %mul3A_138, %add3A_139 : i32
      %dma_start3A_141 = arith.constant 0 : i32
      %dma_start3A_142 = tpu.memref_slice %arg9[%rem3A_19, %add3A_140, %dma_start3A_141] : memref<2x320x64xf32, #tpu.memory_space<vmem>> -> memref<1x1x64xf32, #tpu.memory_space<vmem>>
      %dma_start3A_143 = tpu.memref_squeeze %dma_start3A_142 : memref<1x1x64xf32, #tpu.memory_space<vmem>> -> memref<64xf32, #tpu.memory_space<vmem>>
      %dma_start3A_144 = arith.constant 0 : i32
      %dma_start3A_145 = tpu.memref_slice %arg3[%squeeze3A_136, %dma_start3A_144] : memref<1000000x64xf32, #tpu.memory_space<hbm>> -> memref<1x64xf32, #tpu.memory_space<hbm>>
      %dma_start3A_146 = tpu.memref_squeeze %dma_start3A_145 : memref<1x64xf32, #tpu.memory_space<hbm>> -> memref<64xf32, #tpu.memory_space<hbm>>
      %dma_start3A_147 = tpu.memref_slice %arg13[%rem3A_19] : memref<2x!tpu.dma_semaphore, #tpu.memory_space<semaphore_mem>> -> memref<1x!tpu.dma_semaphore, #tpu.memory_space<semaphore_mem>>
      %dma_start3A_148 = tpu.memref_squeeze %dma_start3A_147 : memref<1x!tpu.dma_semaphore, #tpu.memory_space<semaphore_mem>> -> memref<!tpu.dma_semaphore, #tpu.memory_space<semaphore_mem>>
      %dma_start3A_149 = arith.constant 0 : i32
      %dma_start3A_150 = tpu.memref_slice %arg9[%rem3A_19, %add3A_140, %dma_start3A_149] : memref<2x320x64xf32, #tpu.memory_space<vmem>> -> memref<1x1x64xf32, #tpu.memory_space<vmem>>
      %dma_start3A_151 = tpu.memref_squeeze %dma_start3A_150 : memref<1x1x64xf32, #tpu.memory_space<vmem>> -> memref<64xf32, #tpu.memory_space<vmem>>
      %dma_start3A_152 = arith.constant 0 : i32
      %dma_start3A_153 = tpu.memref_slice %arg3[%squeeze3A_136, %dma_start3A_152] : memref<1000000x64xf32, #tpu.memory_space<hbm>> -> memref<1x64xf32, #tpu.memory_space<hbm>>
      %dma_start3A_154 = tpu.memref_squeeze %dma_start3A_153 : memref<1x64xf32, #tpu.memory_space<hbm>> -> memref<64xf32, #tpu.memory_space<hbm>>
      tpu.enqueue_dma source(%dma_start3A_154 : memref<64xf32, #tpu.memory_space<hbm>>) target(%dma_start3A_151 : memref<64xf32, #tpu.memory_space<vmem>>) target_semaphore(%dma_start3A_148 : memref<!tpu.dma_semaphore, #tpu.memory_space<semaphore_mem>>)
      %slice3A_155 = vector.extract_strided_slice %get3A_37 {offsets = [6], sizes = [1], strides = [1]} : vector<16xi32> to vector<1xi32>
      %squeeze3A_156 = vector.extract %slice3A_155[0] : i32 from vector<1xi32>
      %mul3A_157 = arith.constant 16 : i32
      %mul3A_158 = arith.muli %scan3A_31, %mul3A_157 : i32
      %add3A_159 = arith.constant 6 : i32
      %add3A_160 = arith.addi %mul3A_158, %add3A_159 : i32
      %dma_start3A_161 = arith.constant 0 : i32
      %dma_start3A_162 = tpu.memref_slice %arg9[%rem3A_19, %add3A_160, %dma_start3A_161] : memref<2x320x64xf32, #tpu.memory_space<vmem>> -> memref<1x1x64xf32, #tpu.memory_space<vmem>>
      %dma_start3A_163 = tpu.memref_squeeze %dma_start3A_162 : memref<1x1x64xf32, #tpu.memory_space<vmem>> -> memref<64xf32, #tpu.memory_space<vmem>>
      %dma_start3A_164 = arith.constant 0 : i32
      %dma_start3A_165 = tpu.memref_slice %arg3[%squeeze3A_156, %dma_start3A_164] : memref<1000000x64xf32, #tpu.memory_space<hbm>> -> memref<1x64xf32, #tpu.memory_space<hbm>>
      %dma_start3A_166 = tpu.memref_squeeze %dma_start3A_165 : memref<1x64xf32, #tpu.memory_space<hbm>> -> memref<64xf32, #tpu.memory_space<hbm>>
      %dma_start3A_167 = tpu.memref_slice %arg13[%rem3A_19] : memref<2x!tpu.dma_semaphore, #tpu.memory_space<semaphore_mem>> -> memref<1x!tpu.dma_semaphore, #tpu.memory_space<semaphore_mem>>
      %dma_start3A_168 = tpu.memref_squeeze %dma_start3A_167 : memref<1x!tpu.dma_semaphore, #tpu.memory_space<semaphore_mem>> -> memref<!tpu.dma_semaphore, #tpu.memory_space<semaphore_mem>>
      %dma_start3A_169 = arith.constant 0 : i32
      %dma_start3A_170 = tpu.memref_slice %arg9[%rem3A_19, %add3A_160, %dma_start3A_169] : memref<2x320x64xf32, #tpu.memory_space<vmem>> -> memref<1x1x64xf32, #tpu.memory_space<vmem>>
      %dma_start3A_171 = tpu.memref_squeeze %dma_start3A_170 : memref<1x1x64xf32, #tpu.memory_space<vmem>> -> memref<64xf32, #tpu.memory_space<vmem>>
      %dma_start3A_172 = arith.constant 0 : i32
      %dma_start3A_173 = tpu.memref_slice %arg3[%squeeze3A_156, %dma_start3A_172] : memref<1000000x64xf32, #tpu.memory_space<hbm>> -> memref<1x64xf32, #tpu.memory_space<hbm>>
      %dma_start3A_174 = tpu.memref_squeeze %dma_start3A_173 : memref<1x64xf32, #tpu.memory_space<hbm>> -> memref<64xf32, #tpu.memory_space<hbm>>
      tpu.enqueue_dma source(%dma_start3A_174 : memref<64xf32, #tpu.memory_space<hbm>>) target(%dma_start3A_171 : memref<64xf32, #tpu.memory_space<vmem>>) target_semaphore(%dma_start3A_168 : memref<!tpu.dma_semaphore, #tpu.memory_space<semaphore_mem>>)
      %slice3A_175 = vector.extract_strided_slice %get3A_37 {offsets = [7], sizes = [1], strides = [1]} : vector<16xi32> to vector<1xi32>
      %squeeze3A_176 = vector.extract %slice3A_175[0] : i32 from vector<1xi32>
      %mul3A_177 = arith.constant 16 : i32
      %mul3A_178 = arith.muli %scan3A_31, %mul3A_177 : i32
      %add3A_179 = arith.constant 7 : i32
      %add3A_180 = arith.addi %mul3A_178, %add3A_179 : i32
      %dma_start3A_181 = arith.constant 0 : i32
      %dma_start3A_182 = tpu.memref_slice %arg9[%rem3A_19, %add3A_180, %dma_start3A_181] : memref<2x320x64xf32, #tpu.memory_space<vmem>> -> memref<1x1x64xf32, #tpu.memory_space<vmem>>
      %dma_start3A_183 = tpu.memref_squeeze %dma_start3A_182 : memref<1x1x64xf32, #tpu.memory_space<vmem>> -> memref<64xf32, #tpu.memory_space<vmem>>
      %dma_start3A_184 = arith.constant 0 : i32
      %dma_start3A_185 = tpu.memref_slice %arg3[%squeeze3A_176, %dma_start3A_184] : memref<1000000x64xf32, #tpu.memory_space<hbm>> -> memref<1x64xf32, #tpu.memory_space<hbm>>
      %dma_start3A_186 = tpu.memref_squeeze %dma_start3A_185 : memref<1x64xf32, #tpu.memory_space<hbm>> -> memref<64xf32, #tpu.memory_space<hbm>>
      %dma_start3A_187 = tpu.memref_slice %arg13[%rem3A_19] : memref<2x!tpu.dma_semaphore, #tpu.memory_space<semaphore_mem>> -> memref<1x!tpu.dma_semaphore, #tpu.memory_space<semaphore_mem>>
      %dma_start3A_188 = tpu.memref_squeeze %dma_start3A_187 : memref<1x!tpu.dma_semaphore, #tpu.memory_space<semaphore_mem>> -> memref<!tpu.dma_semaphore, #tpu.memory_space<semaphore_mem>>
      %dma_start3A_189 = arith.constant 0 : i32
      %dma_start3A_190 = tpu.memref_slice %arg9[%rem3A_19, %add3A_180, %dma_start3A_189] : memref<2x320x64xf32, #tpu.memory_space<vmem>> -> memref<1x1x64xf32, #tpu.memory_space<vmem>>
      %dma_start3A_191 = tpu.memref_squeeze %dma_start3A_190 : memref<1x1x64xf32, #tpu.memory_space<vmem>> -> memref<64xf32, #tpu.memory_space<vmem>>
      %dma_start3A_192 = arith.constant 0 : i32
      %dma_start3A_193 = tpu.memref_slice %arg3[%squeeze3A_176, %dma_start3A_192] : memref<1000000x64xf32, #tpu.memory_space<hbm>> -> memref<1x64xf32, #tpu.memory_space<hbm>>
      %dma_start3A_194 = tpu.memref_squeeze %dma_start3A_193 : memref<1x64xf32, #tpu.memory_space<hbm>> -> memref<64xf32, #tpu.memory_space<hbm>>
      tpu.enqueue_dma source(%dma_start3A_194 : memref<64xf32, #tpu.memory_space<hbm>>) target(%dma_start3A_191 : memref<64xf32, #tpu.memory_space<vmem>>) target_semaphore(%dma_start3A_188 : memref<!tpu.dma_semaphore, #tpu.memory_space<semaphore_mem>>)
      %slice3A_195 = vector.extract_strided_slice %get3A_37 {offsets = [8], sizes = [1], strides = [1]} : vector<16xi32> to vector<1xi32>
      %squeeze3A_196 = vector.extract %slice3A_195[0] : i32 from vector<1xi32>
      %mul3A_197 = arith.constant 16 : i32
      %mul3A_198 = arith.muli %scan3A_31, %mul3A_197 : i32
      %add3A_199 = arith.constant 8 : i32
      %add3A_200 = arith.addi %mul3A_198, %add3A_199 : i32
      %dma_start3A_201 = arith.constant 0 : i32
      %dma_start3A_202 = tpu.memref_slice %arg9[%rem3A_19, %add3A_200, %dma_start3A_201] : memref<2x320x64xf32, #tpu.memory_space<vmem>> -> memref<1x1x64xf32, #tpu.memory_space<vmem>>
      %dma_start3A_203 = tpu.memref_squeeze %dma_start3A_202 : memref<1x1x64xf32, #tpu.memory_space<vmem>> -> memref<64xf32, #tpu.memory_space<vmem>>
      %dma_start3A_204 = arith.constant 0 : i32
      %dma_start3A_205 = tpu.memref_slice %arg3[%squeeze3A_196, %dma_start3A_204] : memref<1000000x64xf32, #tpu.memory_space<hbm>> -> memref<1x64xf32, #tpu.memory_space<hbm>>
      %dma_start3A_206 = tpu.memref_squeeze %dma_start3A_205 : memref<1x64xf32, #tpu.memory_space<hbm>> -> memref<64xf32, #tpu.memory_space<hbm>>
      %dma_start3A_207 = tpu.memref_slice %arg13[%rem3A_19] : memref<2x!tpu.dma_semaphore, #tpu.memory_space<semaphore_mem>> -> memref<1x!tpu.dma_semaphore, #tpu.memory_space<semaphore_mem>>
      %dma_start3A_208 = tpu.memref_squeeze %dma_start3A_207 : memref<1x!tpu.dma_semaphore, #tpu.memory_space<semaphore_mem>> -> memref<!tpu.dma_semaphore, #tpu.memory_space<semaphore_mem>>
      %dma_start3A_209 = arith.constant 0 : i32
      %dma_start3A_210 = tpu.memref_slice %arg9[%rem3A_19, %add3A_200, %dma_start3A_209] : memref<2x320x64xf32, #tpu.memory_space<vmem>> -> memref<1x1x64xf32, #tpu.memory_space<vmem>>
      %dma_start3A_211 = tpu.memref_squeeze %dma_start3A_210 : memref<1x1x64xf32, #tpu.memory_space<vmem>> -> memref<64xf32, #tpu.memory_space<vmem>>
      %dma_start3A_212 = arith.constant 0 : i32
      %dma_start3A_213 = tpu.memref_slice %arg3[%squeeze3A_196, %dma_start3A_212] : memref<1000000x64xf32, #tpu.memory_space<hbm>> -> memref<1x64xf32, #tpu.memory_space<hbm>>
      %dma_start3A_214 = tpu.memref_squeeze %dma_start3A_213 : memref<1x64xf32, #tpu.memory_space<hbm>> -> memref<64xf32, #tpu.memory_space<hbm>>
      tpu.enqueue_dma source(%dma_start3A_214 : memref<64xf32, #tpu.memory_space<hbm>>) target(%dma_start3A_211 : memref<64xf32, #tpu.memory_space<vmem>>) target_semaphore(%dma_start3A_208 : memref<!tpu.dma_semaphore, #tpu.memory_space<semaphore_mem>>)
      %slice3A_215 = vector.extract_strided_slice %get3A_37 {offsets = [9], sizes = [1], strides = [1]} : vector<16xi32> to vector<1xi32>
      %squeeze3A_216 = vector.extract %slice3A_215[0] : i32 from vector<1xi32>
      %mul3A_217 = arith.constant 16 : i32
      %mul3A_218 = arith.muli %scan3A_31, %mul3A_217 : i32
      %add3A_219 = arith.constant 9 : i32
      %add3A_220 = arith.addi %mul3A_218, %add3A_219 : i32
      %dma_start3A_221 = arith.constant 0 : i32
      %dma_start3A_222 = tpu.memref_slice %arg9[%rem3A_19, %add3A_220, %dma_start3A_221] : memref<2x320x64xf32, #tpu.memory_space<vmem>> -> memref<1x1x64xf32, #tpu.memory_space<vmem>>
      %dma_start3A_223 = tpu.memref_squeeze %dma_start3A_222 : memref<1x1x64xf32, #tpu.memory_space<vmem>> -> memref<64xf32, #tpu.memory_space<vmem>>
      %dma_start3A_224 = arith.constant 0 : i32
      %dma_start3A_225 = tpu.memref_slice %arg3[%squeeze3A_216, %dma_start3A_224] : memref<1000000x64xf32, #tpu.memory_space<hbm>> -> memref<1x64xf32, #tpu.memory_space<hbm>>
      %dma_start3A_226 = tpu.memref_squeeze %dma_start3A_225 : memref<1x64xf32, #tpu.memory_space<hbm>> -> memref<64xf32, #tpu.memory_space<hbm>>
      %dma_start3A_227 = tpu.memref_slice %arg13[%rem3A_19] : memref<2x!tpu.dma_semaphore, #tpu.memory_space<semaphore_mem>> -> memref<1x!tpu.dma_semaphore, #tpu.memory_space<semaphore_mem>>
      %dma_start3A_228 = tpu.memref_squeeze %dma_start3A_227 : memref<1x!tpu.dma_semaphore, #tpu.memory_space<semaphore_mem>> -> memref<!tpu.dma_semaphore, #tpu.memory_space<semaphore_mem>>
      %dma_start3A_229 = arith.constant 0 : i32
      %dma_start3A_230 = tpu.memref_slice %arg9[%rem3A_19, %add3A_220, %dma_start3A_229] : memref<2x320x64xf32, #tpu.memory_space<vmem>> -> memref<1x1x64xf32, #tpu.memory_space<vmem>>
      %dma_start3A_231 = tpu.memref_squeeze %dma_start3A_230 : memref<1x1x64xf32, #tpu.memory_space<vmem>> -> memref<64xf32, #tpu.memory_space<vmem>>
      %dma_start3A_232 = arith.constant 0 : i32
      %dma_start3A_233 = tpu.memref_slice %arg3[%squeeze3A_216, %dma_start3A_232] : memref<1000000x64xf32, #tpu.memory_space<hbm>> -> memref<1x64xf32, #tpu.memory_space<hbm>>
      %dma_start3A_234 = tpu.memref_squeeze %dma_start3A_233 : memref<1x64xf32, #tpu.memory_space<hbm>> -> memref<64xf32, #tpu.memory_space<hbm>>
      tpu.enqueue_dma source(%dma_start3A_234 : memref<64xf32, #tpu.memory_space<hbm>>) target(%dma_start3A_231 : memref<64xf32, #tpu.memory_space<vmem>>) target_semaphore(%dma_start3A_228 : memref<!tpu.dma_semaphore, #tpu.memory_space<semaphore_mem>>)
      %slice3A_235 = vector.extract_strided_slice %get3A_37 {offsets = [10], sizes = [1], strides = [1]} : vector<16xi32> to vector<1xi32>
      %squeeze3A_236 = vector.extract %slice3A_235[0] : i32 from vector<1xi32>
      %mul3A_237 = arith.constant 16 : i32
      %mul3A_238 = arith.muli %scan3A_31, %mul3A_237 : i32
      %add3A_239 = arith.constant 10 : i32
      %add3A_240 = arith.addi %mul3A_238, %add3A_239 : i32
      %dma_start3A_241 = arith.constant 0 : i32
      %dma_start3A_242 = tpu.memref_slice %arg9[%rem3A_19, %add3A_240, %dma_start3A_241] : memref<2x320x64xf32, #tpu.memory_space<vmem>> -> memref<1x1x64xf32, #tpu.memory_space<vmem>>
      %dma_start3A_243 = tpu.memref_squeeze %dma_start3A_242 : memref<1x1x64xf32, #tpu.memory_space<vmem>> -> memref<64xf32, #tpu.memory_space<vmem>>
      %dma_start3A_244 = arith.constant 0 : i32
      %dma_start3A_245 = tpu.memref_slice %arg3[%squeeze3A_236, %dma_start3A_244] : memref<1000000x64xf32, #tpu.memory_space<hbm>> -> memref<1x64xf32, #tpu.memory_space<hbm>>
      %dma_start3A_246 = tpu.memref_squeeze %dma_start3A_245 : memref<1x64xf32, #tpu.memory_space<hbm>> -> memref<64xf32, #tpu.memory_space<hbm>>
      %dma_start3A_247 = tpu.memref_slice %arg13[%rem3A_19] : memref<2x!tpu.dma_semaphore, #tpu.memory_space<semaphore_mem>> -> memref<1x!tpu.dma_semaphore, #tpu.memory_space<semaphore_mem>>
      %dma_start3A_248 = tpu.memref_squeeze %dma_start3A_247 : memref<1x!tpu.dma_semaphore, #tpu.memory_space<semaphore_mem>> -> memref<!tpu.dma_semaphore, #tpu.memory_space<semaphore_mem>>
      %dma_start3A_249 = arith.constant 0 : i32
      %dma_start3A_250 = tpu.memref_slice %arg9[%rem3A_19, %add3A_240, %dma_start3A_249] : memref<2x320x64xf32, #tpu.memory_space<vmem>> -> memref<1x1x64xf32, #tpu.memory_space<vmem>>
      %dma_start3A_251 = tpu.memref_squeeze %dma_start3A_250 : memref<1x1x64xf32, #tpu.memory_space<vmem>> -> memref<64xf32, #tpu.memory_space<vmem>>
      %dma_start3A_252 = arith.constant 0 : i32
      %dma_start3A_253 = tpu.memref_slice %arg3[%squeeze3A_236, %dma_start3A_252] : memref<1000000x64xf32, #tpu.memory_space<hbm>> -> memref<1x64xf32, #tpu.memory_space<hbm>>
      %dma_start3A_254 = tpu.memref_squeeze %dma_start3A_253 : memref<1x64xf32, #tpu.memory_space<hbm>> -> memref<64xf32, #tpu.memory_space<hbm>>
      tpu.enqueue_dma source(%dma_start3A_254 : memref<64xf32, #tpu.memory_space<hbm>>) target(%dma_start3A_251 : memref<64xf32, #tpu.memory_space<vmem>>) target_semaphore(%dma_start3A_248 : memref<!tpu.dma_semaphore, #tpu.memory_space<semaphore_mem>>)
      %slice3A_255 = vector.extract_strided_slice %get3A_37 {offsets = [11], sizes = [1], strides = [1]} : vector<16xi32> to vector<1xi32>
      %squeeze3A_256 = vector.extract %slice3A_255[0] : i32 from vector<1xi32>
      %mul3A_257 = arith.constant 16 : i32
      %mul3A_258 = arith.muli %scan3A_31, %mul3A_257 : i32
      %add3A_259 = arith.constant 11 : i32
      %add3A_260 = arith.addi %mul3A_258, %add3A_259 : i32
      %dma_start3A_261 = arith.constant 0 : i32
      %dma_start3A_262 = tpu.memref_slice %arg9[%rem3A_19, %add3A_260, %dma_start3A_261] : memref<2x320x64xf32, #tpu.memory_space<vmem>> -> memref<1x1x64xf32, #tpu.memory_space<vmem>>
      %dma_start3A_263 = tpu.memref_squeeze %dma_start3A_262 : memref<1x1x64xf32, #tpu.memory_space<vmem>> -> memref<64xf32, #tpu.memory_space<vmem>>
      %dma_start3A_264 = arith.constant 0 : i32
      %dma_start3A_265 = tpu.memref_slice %arg3[%squeeze3A_256, %dma_start3A_264] : memref<1000000x64xf32, #tpu.memory_space<hbm>> -> memref<1x64xf32, #tpu.memory_space<hbm>>
      %dma_start3A_266 = tpu.memref_squeeze %dma_start3A_265 : memref<1x64xf32, #tpu.memory_space<hbm>> -> memref<64xf32, #tpu.memory_space<hbm>>
      %dma_start3A_267 = tpu.memref_slice %arg13[%rem3A_19] : memref<2x!tpu.dma_semaphore, #tpu.memory_space<semaphore_mem>> -> memref<1x!tpu.dma_semaphore, #tpu.memory_space<semaphore_mem>>
      %dma_start3A_268 = tpu.memref_squeeze %dma_start3A_267 : memref<1x!tpu.dma_semaphore, #tpu.memory_space<semaphore_mem>> -> memref<!tpu.dma_semaphore, #tpu.memory_space<semaphore_mem>>
      %dma_start3A_269 = arith.constant 0 : i32
      %dma_start3A_270 = tpu.memref_slice %arg9[%rem3A_19, %add3A_260, %dma_start3A_269] : memref<2x320x64xf32, #tpu.memory_space<vmem>> -> memref<1x1x64xf32, #tpu.memory_space<vmem>>
      %dma_start3A_271 = tpu.memref_squeeze %dma_start3A_270 : memref<1x1x64xf32, #tpu.memory_space<vmem>> -> memref<64xf32, #tpu.memory_space<vmem>>
      %dma_start3A_272 = arith.constant 0 : i32
      %dma_start3A_273 = tpu.memref_slice %arg3[%squeeze3A_256, %dma_start3A_272] : memref<1000000x64xf32, #tpu.memory_space<hbm>> -> memref<1x64xf32, #tpu.memory_space<hbm>>
      %dma_start3A_274 = tpu.memref_squeeze %dma_start3A_273 : memref<1x64xf32, #tpu.memory_space<hbm>> -> memref<64xf32, #tpu.memory_space<hbm>>
      tpu.enqueue_dma source(%dma_start3A_274 : memref<64xf32, #tpu.memory_space<hbm>>) target(%dma_start3A_271 : memref<64xf32, #tpu.memory_space<vmem>>) target_semaphore(%dma_start3A_268 : memref<!tpu.dma_semaphore, #tpu.memory_space<semaphore_mem>>)
      %slice3A_275 = vector.extract_strided_slice %get3A_37 {offsets = [12], sizes = [1], strides = [1]} : vector<16xi32> to vector<1xi32>
      %squeeze3A_276 = vector.extract %slice3A_275[0] : i32 from vector<1xi32>
      %mul3A_277 = arith.constant 16 : i32
      %mul3A_278 = arith.muli %scan3A_31, %mul3A_277 : i32
      %add3A_279 = arith.constant 12 : i32
      %add3A_280 = arith.addi %mul3A_278, %add3A_279 : i32
      %dma_start3A_281 = arith.constant 0 : i32
      %dma_start3A_282 = tpu.memref_slice %arg9[%rem3A_19, %add3A_280, %dma_start3A_281] : memref<2x320x64xf32, #tpu.memory_space<vmem>> -> memref<1x1x64xf32, #tpu.memory_space<vmem>>
      %dma_start3A_283 = tpu.memref_squeeze %dma_start3A_282 : memref<1x1x64xf32, #tpu.memory_space<vmem>> -> memref<64xf32, #tpu.memory_space<vmem>>
      %dma_start3A_284 = arith.constant 0 : i32
      %dma_start3A_285 = tpu.memref_slice %arg3[%squeeze3A_276, %dma_start3A_284] : memref<1000000x64xf32, #tpu.memory_space<hbm>> -> memref<1x64xf32, #tpu.memory_space<hbm>>
      %dma_start3A_286 = tpu.memref_squeeze %dma_start3A_285 : memref<1x64xf32, #tpu.memory_space<hbm>> -> memref<64xf32, #tpu.memory_space<hbm>>
      %dma_start3A_287 = tpu.memref_slice %arg13[%rem3A_19] : memref<2x!tpu.dma_semaphore, #tpu.memory_space<semaphore_mem>> -> memref<1x!tpu.dma_semaphore, #tpu.memory_space<semaphore_mem>>
      %dma_start3A_288 = tpu.memref_squeeze %dma_start3A_287 : memref<1x!tpu.dma_semaphore, #tpu.memory_space<semaphore_mem>> -> memref<!tpu.dma_semaphore, #tpu.memory_space<semaphore_mem>>
      %dma_start3A_289 = arith.constant 0 : i32
      %dma_start3A_290 = tpu.memref_slice %arg9[%rem3A_19, %add3A_280, %dma_start3A_289] : memref<2x320x64xf32, #tpu.memory_space<vmem>> -> memref<1x1x64xf32, #tpu.memory_space<vmem>>
      %dma_start3A_291 = tpu.memref_squeeze %dma_start3A_290 : memref<1x1x64xf32, #tpu.memory_space<vmem>> -> memref<64xf32, #tpu.memory_space<vmem>>
      %dma_start3A_292 = arith.constant 0 : i32
      %dma_start3A_293 = tpu.memref_slice %arg3[%squeeze3A_276, %dma_start3A_292] : memref<1000000x64xf32, #tpu.memory_space<hbm>> -> memref<1x64xf32, #tpu.memory_space<hbm>>
      %dma_start3A_294 = tpu.memref_squeeze %dma_start3A_293 : memref<1x64xf32, #tpu.memory_space<hbm>> -> memref<64xf32, #tpu.memory_space<hbm>>
      tpu.enqueue_dma source(%dma_start3A_294 : memref<64xf32, #tpu.memory_space<hbm>>) target(%dma_start3A_291 : memref<64xf32, #tpu.memory_space<vmem>>) target_semaphore(%dma_start3A_288 : memref<!tpu.dma_semaphore, #tpu.memory_space<semaphore_mem>>)
      %slice3A_295 = vector.extract_strided_slice %get3A_37 {offsets = [13], sizes = [1], strides = [1]} : vector<16xi32> to vector<1xi32>
      %squeeze3A_296 = vector.extract %slice3A_295[0] : i32 from vector<1xi32>
      %mul3A_297 = arith.constant 16 : i32
      %mul3A_298 = arith.muli %scan3A_31, %mul3A_297 : i32
      %add3A_299 = arith.constant 13 : i32
      %add3A_300 = arith.addi %mul3A_298, %add3A_299 : i32
      %dma_start3A_301 = arith.constant 0 : i32
      %dma_start3A_302 = tpu.memref_slice %arg9[%rem3A_19, %add3A_300, %dma_start3A_301] : memref<2x320x64xf32, #tpu.memory_space<vmem>> -> memref<1x1x64xf32, #tpu.memory_space<vmem>>
      %dma_start3A_303 = tpu.memref_squeeze %dma_start3A_302 : memref<1x1x64xf32, #tpu.memory_space<vmem>> -> memref<64xf32, #tpu.memory_space<vmem>>
      %dma_start3A_304 = arith.constant 0 : i32
      %dma_start3A_305 = tpu.memref_slice %arg3[%squeeze3A_296, %dma_start3A_304] : memref<1000000x64xf32, #tpu.memory_space<hbm>> -> memref<1x64xf32, #tpu.memory_space<hbm>>
      %dma_start3A_306 = tpu.memref_squeeze %dma_start3A_305 : memref<1x64xf32, #tpu.memory_space<hbm>> -> memref<64xf32, #tpu.memory_space<hbm>>
      %dma_start3A_307 = tpu.memref_slice %arg13[%rem3A_19] : memref<2x!tpu.dma_semaphore, #tpu.memory_space<semaphore_mem>> -> memref<1x!tpu.dma_semaphore, #tpu.memory_space<semaphore_mem>>
      %dma_start3A_308 = tpu.memref_squeeze %dma_start3A_307 : memref<1x!tpu.dma_semaphore, #tpu.memory_space<semaphore_mem>> -> memref<!tpu.dma_semaphore, #tpu.memory_space<semaphore_mem>>
      %dma_start3A_309 = arith.constant 0 : i32
      %dma_start3A_310 = tpu.memref_slice %arg9[%rem3A_19, %add3A_300, %dma_start3A_309] : memref<2x320x64xf32, #tpu.memory_space<vmem>> -> memref<1x1x64xf32, #tpu.memory_space<vmem>>
      %dma_start3A_311 = tpu.memref_squeeze %dma_start3A_310 : memref<1x1x64xf32, #tpu.memory_space<vmem>> -> memref<64xf32, #tpu.memory_space<vmem>>
      %dma_start3A_312 = arith.constant 0 : i32
      %dma_start3A_313 = tpu.memref_slice %arg3[%squeeze3A_296, %dma_start3A_312] : memref<1000000x64xf32, #tpu.memory_space<hbm>> -> memref<1x64xf32, #tpu.memory_space<hbm>>
      %dma_start3A_314 = tpu.memref_squeeze %dma_start3A_313 : memref<1x64xf32, #tpu.memory_space<hbm>> -> memref<64xf32, #tpu.memory_space<hbm>>
      tpu.enqueue_dma source(%dma_start3A_314 : memref<64xf32, #tpu.memory_space<hbm>>) target(%dma_start3A_311 : memref<64xf32, #tpu.memory_space<vmem>>) target_semaphore(%dma_start3A_308 : memref<!tpu.dma_semaphore, #tpu.memory_space<semaphore_mem>>)
      %slice3A_315 = vector.extract_strided_slice %get3A_37 {offsets = [14], sizes = [1], strides = [1]} : vector<16xi32> to vector<1xi32>
      %squeeze3A_316 = vector.extract %slice3A_315[0] : i32 from vector<1xi32>
      %mul3A_317 = arith.constant 16 : i32
      %mul3A_318 = arith.muli %scan3A_31, %mul3A_317 : i32
      %add3A_319 = arith.constant 14 : i32
      %add3A_320 = arith.addi %mul3A_318, %add3A_319 : i32
      %dma_start3A_321 = arith.constant 0 : i32
      %dma_start3A_322 = tpu.memref_slice %arg9[%rem3A_19, %add3A_320, %dma_start3A_321] : memref<2x320x64xf32, #tpu.memory_space<vmem>> -> memref<1x1x64xf32, #tpu.memory_space<vmem>>
      %dma_start3A_323 = tpu.memref_squeeze %dma_start3A_322 : memref<1x1x64xf32, #tpu.memory_space<vmem>> -> memref<64xf32, #tpu.memory_space<vmem>>
      %dma_start3A_324 = arith.constant 0 : i32
      %dma_start3A_325 = tpu.memref_slice %arg3[%squeeze3A_316, %dma_start3A_324] : memref<1000000x64xf32, #tpu.memory_space<hbm>> -> memref<1x64xf32, #tpu.memory_space<hbm>>
      %dma_start3A_326 = tpu.memref_squeeze %dma_start3A_325 : memref<1x64xf32, #tpu.memory_space<hbm>> -> memref<64xf32, #tpu.memory_space<hbm>>
      %dma_start3A_327 = tpu.memref_slice %arg13[%rem3A_19] : memref<2x!tpu.dma_semaphore, #tpu.memory_space<semaphore_mem>> -> memref<1x!tpu.dma_semaphore, #tpu.memory_space<semaphore_mem>>
      %dma_start3A_328 = tpu.memref_squeeze %dma_start3A_327 : memref<1x!tpu.dma_semaphore, #tpu.memory_space<semaphore_mem>> -> memref<!tpu.dma_semaphore, #tpu.memory_space<semaphore_mem>>
      %dma_start3A_329 = arith.constant 0 : i32
      %dma_start3A_330 = tpu.memref_slice %arg9[%rem3A_19, %add3A_320, %dma_start3A_329] : memref<2x320x64xf32, #tpu.memory_space<vmem>> -> memref<1x1x64xf32, #tpu.memory_space<vmem>>
      %dma_start3A_331 = tpu.memref_squeeze %dma_start3A_330 : memref<1x1x64xf32, #tpu.memory_space<vmem>> -> memref<64xf32, #tpu.memory_space<vmem>>
      %dma_start3A_332 = arith.constant 0 : i32
      %dma_start3A_333 = tpu.memref_slice %arg3[%squeeze3A_316, %dma_start3A_332] : memref<1000000x64xf32, #tpu.memory_space<hbm>> -> memref<1x64xf32, #tpu.memory_space<hbm>>
      %dma_start3A_334 = tpu.memref_squeeze %dma_start3A_333 : memref<1x64xf32, #tpu.memory_space<hbm>> -> memref<64xf32, #tpu.memory_space<hbm>>
      tpu.enqueue_dma source(%dma_start3A_334 : memref<64xf32, #tpu.memory_space<hbm>>) target(%dma_start3A_331 : memref<64xf32, #tpu.memory_space<vmem>>) target_semaphore(%dma_start3A_328 : memref<!tpu.dma_semaphore, #tpu.memory_space<semaphore_mem>>)
      %slice3A_335 = vector.extract_strided_slice %get3A_37 {offsets = [15], sizes = [1], strides = [1]} : vector<16xi32> to vector<1xi32>
      %squeeze3A_336 = vector.extract %slice3A_335[0] : i32 from vector<1xi32>
      %mul3A_337 = arith.constant 16 : i32
      %mul3A_338 = arith.muli %scan3A_31, %mul3A_337 : i32
      %add3A_339 = arith.constant 15 : i32
      %add3A_340 = arith.addi %mul3A_338, %add3A_339 : i32
      %dma_start3A_341 = arith.constant 0 : i32
      %dma_start3A_342 = tpu.memref_slice %arg9[%rem3A_19, %add3A_340, %dma_start3A_341] : memref<2x320x64xf32, #tpu.memory_space<vmem>> -> memref<1x1x64xf32, #tpu.memory_space<vmem>>
      %dma_start3A_343 = tpu.memref_squeeze %dma_start3A_342 : memref<1x1x64xf32, #tpu.memory_space<vmem>> -> memref<64xf32, #tpu.memory_space<vmem>>
      %dma_start3A_344 = arith.constant 0 : i32
      %dma_start3A_345 = tpu.memref_slice %arg3[%squeeze3A_336, %dma_start3A_344] : memref<1000000x64xf32, #tpu.memory_space<hbm>> -> memref<1x64xf32, #tpu.memory_space<hbm>>
      %dma_start3A_346 = tpu.memref_squeeze %dma_start3A_345 : memref<1x64xf32, #tpu.memory_space<hbm>> -> memref<64xf32, #tpu.memory_space<hbm>>
      %dma_start3A_347 = tpu.memref_slice %arg13[%rem3A_19] : memref<2x!tpu.dma_semaphore, #tpu.memory_space<semaphore_mem>> -> memref<1x!tpu.dma_semaphore, #tpu.memory_space<semaphore_mem>>
      %dma_start3A_348 = tpu.memref_squeeze %dma_start3A_347 : memref<1x!tpu.dma_semaphore, #tpu.memory_space<semaphore_mem>> -> memref<!tpu.dma_semaphore, #tpu.memory_space<semaphore_mem>>
      %dma_start3A_349 = arith.constant 0 : i32
      %dma_start3A_350 = tpu.memref_slice %arg9[%rem3A_19, %add3A_340, %dma_start3A_349] : memref<2x320x64xf32, #tpu.memory_space<vmem>> -> memref<1x1x64xf32, #tpu.memory_space<vmem>>
      %dma_start3A_351 = tpu.memref_squeeze %dma_start3A_350 : memref<1x1x64xf32, #tpu.memory_space<vmem>> -> memref<64xf32, #tpu.memory_space<vmem>>
      %dma_start3A_352 = arith.constant 0 : i32
      %dma_start3A_353 = tpu.memref_slice %arg3[%squeeze3A_336, %dma_start3A_352] : memref<1000000x64xf32, #tpu.memory_space<hbm>> -> memref<1x64xf32, #tpu.memory_space<hbm>>
      %dma_start3A_354 = tpu.memref_squeeze %dma_start3A_353 : memref<1x64xf32, #tpu.memory_space<hbm>> -> memref<64xf32, #tpu.memory_space<hbm>>
      tpu.enqueue_dma source(%dma_start3A_354 : memref<64xf32, #tpu.memory_space<hbm>>) target(%dma_start3A_351 : memref<64xf32, #tpu.memory_space<vmem>>) target_semaphore(%dma_start3A_348 : memref<!tpu.dma_semaphore, #tpu.memory_space<semaphore_mem>>)
    }
    %scan3A_24 = arith.constant 20 : i32
    %scan3A_25 = arith.constant 0 : i32
    %scan3A_26 = arith.constant 0 : i32
    %scan3A_27 = arith.constant 8 : i32
    %scan3A_28 = arith.addi %scan3A_26, %scan3A_27 : i32
    %scan3A_29 = arith.constant 1 : i32
    scf.for %scan3A_31 = %scan3A_26 to %scan3A_28 step %scan3A_29  : i32 {
      %rem3A_32 = arith.constant 2 : i32
      %rem3A_33 = arith.remsi %scan3A_31, %rem3A_32 : i32
      %rem3A_34 = arith.constant 2 : i32
      %rem3A_35 = arith.remsi %scan3A_31, %rem3A_34 : i32
      %scan3A_36 = arith.constant 0 : i32
      %scan3A_37 = arith.constant 0 : i32
      %scan3A_38 = arith.constant 320 : i32
      %scan3A_39 = arith.addi %scan3A_37, %scan3A_38 : i32
      %scan3A_40 = arith.constant 1 : i32
      scf.for %scan3A_55 = %scan3A_37 to %scan3A_39 step %scan3A_40  : i32 {
        %dma_wait3A = arith.constant 0 : i32
        %dma_wait3A_56 = arith.constant 0 : i32
        %dma_wait3A_57 = tpu.memref_slice %arg9[%rem3A_35, %scan3A_55, %dma_wait3A_56] : memref<2x320x64xf32, #tpu.memory_space<vmem>> -> memref<1x1x64xf32, #tpu.memory_space<vmem>>
        %dma_wait3A_58 = tpu.memref_squeeze %dma_wait3A_57 : memref<1x1x64xf32, #tpu.memory_space<vmem>> -> memref<64xf32, #tpu.memory_space<vmem>>
        %dma_wait3A_59 = arith.constant 0 : i32
        %dma_wait3A_60 = tpu.memref_slice %arg3[%dma_wait3A, %dma_wait3A_59] : memref<1000000x64xf32, #tpu.memory_space<hbm>> -> memref<1x64xf32, #tpu.memory_space<hbm>>
        %dma_wait3A_61 = tpu.memref_squeeze %dma_wait3A_60 : memref<1x64xf32, #tpu.memory_space<hbm>> -> memref<64xf32, #tpu.memory_space<hbm>>
        %dma_wait3A_62 = tpu.memref_slice %arg13[%rem3A_35] : memref<2x!tpu.dma_semaphore, #tpu.memory_space<semaphore_mem>> -> memref<1x!tpu.dma_semaphore, #tpu.memory_space<semaphore_mem>>
        %dma_wait3A_63 = tpu.memref_squeeze %dma_wait3A_62 : memref<1x!tpu.dma_semaphore, #tpu.memory_space<semaphore_mem>> -> memref<!tpu.dma_semaphore, #tpu.memory_space<semaphore_mem>>
        %dma_wait3A_64 = arith.constant 0 : i32
        %dma_wait3A_65 = tpu.memref_slice %arg9[%rem3A_35, %scan3A_55, %dma_wait3A_64] : memref<2x320x64xf32, #tpu.memory_space<vmem>> -> memref<1x1x64xf32, #tpu.memory_space<vmem>>
        %dma_wait3A_66 = tpu.memref_squeeze %dma_wait3A_65 : memref<1x1x64xf32, #tpu.memory_space<vmem>> -> memref<64xf32, #tpu.memory_space<vmem>>
        %dma_wait3A_67 = arith.constant 0 : i32
        %dma_wait3A_68 = tpu.memref_slice %arg3[%dma_wait3A, %dma_wait3A_67] : memref<1000000x64xf32, #tpu.memory_space<hbm>> -> memref<1x64xf32, #tpu.memory_space<hbm>>
        %dma_wait3A_69 = tpu.memref_squeeze %dma_wait3A_68 : memref<1x64xf32, #tpu.memory_space<hbm>> -> memref<64xf32, #tpu.memory_space<hbm>>
        tpu.wait_dma2 semaphore(%dma_wait3A_63 : memref<!tpu.dma_semaphore, #tpu.memory_space<semaphore_mem>>) src(%dma_wait3A_69 : memref<64xf32, #tpu.memory_space<hbm>>) dst(%dma_wait3A_66 : memref<64xf32, #tpu.memory_space<vmem>>)
      }
      %scan3A_41 = arith.constant 320 : i32
      %add3A_42 = arith.constant 1 : i32
      %add3A_43 = arith.addi %scan3A_31, %add3A_42 : i32
      %lt3A = arith.constant 8 : i32
      %lt3A_44 = arith.cmpi slt, %add3A_43, %lt3A : i32
      %convert_element_type3A = arith.extui %lt3A_44 : i1 to i32
      %cond3A = arith.constant 0 : i32
      %cond3A_45 = arith.cmpi ne, %convert_element_type3A, %cond3A : i32
      scf.if %cond3A_45 {
        %add3A_55 = arith.constant 1 : i32
        %add3A_56 = arith.addi %scan3A_31, %add3A_55 : i32
        %rem3A_57 = arith.constant 2 : i32
        %rem3A_58 = arith.remsi %add3A_56, %rem3A_57 : i32
        %scan3A_59 = arith.constant 0 : i32
        %scan3A_60 = arith.constant 0 : i32
        %scan3A_61 = arith.constant 20 : i32
        %scan3A_62 = arith.addi %scan3A_60, %scan3A_61 : i32
        %scan3A_63 = arith.constant 1 : i32
        scf.for %scan3A_65 = %scan3A_60 to %scan3A_62 step %scan3A_63  : i32 {
          %mul3A_66 = arith.constant 320 : i32
          %mul3A_67 = arith.muli %add3A_56, %mul3A_66 : i32
          %mul3A_68 = arith.constant 16 : i32
          %mul3A_69 = arith.muli %scan3A_65, %mul3A_68 : i32
          %add3A_70 = arith.addi %mul3A_67, %mul3A_69 : i32
          %get3A_71 = arith.index_cast %add3A_70 : i32 to index
          %get3A_72 = tpu.vector_load %arg8[%get3A_71] {strides = array<i32>} : memref<2560xi32, #tpu.memory_space<vmem>>, vector<16xi32>,
          %slice3A = vector.extract_strided_slice %get3A_72 {offsets = [0], sizes = [1], strides = [1]} : vector<16xi32> to vector<1xi32>
          %squeeze3A = vector.extract %slice3A[0] : i32 from vector<1xi32>
          %mul3A_73 = arith.constant 16 : i32
          %mul3A_74 = arith.muli %scan3A_65, %mul3A_73 : i32
          %add3A_75 = arith.constant 0 : i32
          %add3A_76 = arith.addi %mul3A_74, %add3A_75 : i32
          %dma_start3A = arith.constant 0 : i32
          %dma_start3A_77 = tpu.memref_slice %arg9[%rem3A_58, %add3A_76, %dma_start3A] : memref<2x320x64xf32, #tpu.memory_space<vmem>> -> memref<1x1x64xf32, #tpu.memory_space<vmem>>
          %dma_start3A_78 = tpu.memref_squeeze %dma_start3A_77 : memref<1x1x64xf32, #tpu.memory_space<vmem>> -> memref<64xf32, #tpu.memory_space<vmem>>
          %dma_start3A_79 = arith.constant 0 : i32
          %dma_start3A_80 = tpu.memref_slice %arg3[%squeeze3A, %dma_start3A_79] : memref<1000000x64xf32, #tpu.memory_space<hbm>> -> memref<1x64xf32, #tpu.memory_space<hbm>>
          %dma_start3A_81 = tpu.memref_squeeze %dma_start3A_80 : memref<1x64xf32, #tpu.memory_space<hbm>> -> memref<64xf32, #tpu.memory_space<hbm>>
          %dma_start3A_82 = tpu.memref_slice %arg13[%rem3A_58] : memref<2x!tpu.dma_semaphore, #tpu.memory_space<semaphore_mem>> -> memref<1x!tpu.dma_semaphore, #tpu.memory_space<semaphore_mem>>
          %dma_start3A_83 = tpu.memref_squeeze %dma_start3A_82 : memref<1x!tpu.dma_semaphore, #tpu.memory_space<semaphore_mem>> -> memref<!tpu.dma_semaphore, #tpu.memory_space<semaphore_mem>>
          %dma_start3A_84 = arith.constant 0 : i32
          %dma_start3A_85 = tpu.memref_slice %arg9[%rem3A_58, %add3A_76, %dma_start3A_84] : memref<2x320x64xf32, #tpu.memory_space<vmem>> -> memref<1x1x64xf32, #tpu.memory_space<vmem>>
          %dma_start3A_86 = tpu.memref_squeeze %dma_start3A_85 : memref<1x1x64xf32, #tpu.memory_space<vmem>> -> memref<64xf32, #tpu.memory_space<vmem>>
          %dma_start3A_87 = arith.constant 0 : i32
          %dma_start3A_88 = tpu.memref_slice %arg3[%squeeze3A, %dma_start3A_87] : memref<1000000x64xf32, #tpu.memory_space<hbm>> -> memref<1x64xf32, #tpu.memory_space<hbm>>
          %dma_start3A_89 = tpu.memref_squeeze %dma_start3A_88 : memref<1x64xf32, #tpu.memory_space<hbm>> -> memref<64xf32, #tpu.memory_space<hbm>>
          tpu.enqueue_dma source(%dma_start3A_89 : memref<64xf32, #tpu.memory_space<hbm>>) target(%dma_start3A_86 : memref<64xf32, #tpu.memory_space<vmem>>) target_semaphore(%dma_start3A_83 : memref<!tpu.dma_semaphore, #tpu.memory_space<semaphore_mem>>)
          %slice3A_90 = vector.extract_strided_slice %get3A_72 {offsets = [1], sizes = [1], strides = [1]} : vector<16xi32> to vector<1xi32>
          %squeeze3A_91 = vector.extract %slice3A_90[0] : i32 from vector<1xi32>
          %mul3A_92 = arith.constant 16 : i32
          %mul3A_93 = arith.muli %scan3A_65, %mul3A_92 : i32
          %add3A_94 = arith.constant 1 : i32
          %add3A_95 = arith.addi %mul3A_93, %add3A_94 : i32
          %dma_start3A_96 = arith.constant 0 : i32
          %dma_start3A_97 = tpu.memref_slice %arg9[%rem3A_58, %add3A_95, %dma_start3A_96] : memref<2x320x64xf32, #tpu.memory_space<vmem>> -> memref<1x1x64xf32, #tpu.memory_space<vmem>>
          %dma_start3A_98 = tpu.memref_squeeze %dma_start3A_97 : memref<1x1x64xf32, #tpu.memory_space<vmem>> -> memref<64xf32, #tpu.memory_space<vmem>>
          %dma_start3A_99 = arith.constant 0 : i32
          %dma_start3A_100 = tpu.memref_slice %arg3[%squeeze3A_91, %dma_start3A_99] : memref<1000000x64xf32, #tpu.memory_space<hbm>> -> memref<1x64xf32, #tpu.memory_space<hbm>>
          %dma_start3A_101 = tpu.memref_squeeze %dma_start3A_100 : memref<1x64xf32, #tpu.memory_space<hbm>> -> memref<64xf32, #tpu.memory_space<hbm>>
          %dma_start3A_102 = tpu.memref_slice %arg13[%rem3A_58] : memref<2x!tpu.dma_semaphore, #tpu.memory_space<semaphore_mem>> -> memref<1x!tpu.dma_semaphore, #tpu.memory_space<semaphore_mem>>
          %dma_start3A_103 = tpu.memref_squeeze %dma_start3A_102 : memref<1x!tpu.dma_semaphore, #tpu.memory_space<semaphore_mem>> -> memref<!tpu.dma_semaphore, #tpu.memory_space<semaphore_mem>>
          %dma_start3A_104 = arith.constant 0 : i32
          %dma_start3A_105 = tpu.memref_slice %arg9[%rem3A_58, %add3A_95, %dma_start3A_104] : memref<2x320x64xf32, #tpu.memory_space<vmem>> -> memref<1x1x64xf32, #tpu.memory_space<vmem>>
          %dma_start3A_106 = tpu.memref_squeeze %dma_start3A_105 : memref<1x1x64xf32, #tpu.memory_space<vmem>> -> memref<64xf32, #tpu.memory_space<vmem>>
          %dma_start3A_107 = arith.constant 0 : i32
          %dma_start3A_108 = tpu.memref_slice %arg3[%squeeze3A_91, %dma_start3A_107] : memref<1000000x64xf32, #tpu.memory_space<hbm>> -> memref<1x64xf32, #tpu.memory_space<hbm>>
          %dma_start3A_109 = tpu.memref_squeeze %dma_start3A_108 : memref<1x64xf32, #tpu.memory_space<hbm>> -> memref<64xf32, #tpu.memory_space<hbm>>
          tpu.enqueue_dma source(%dma_start3A_109 : memref<64xf32, #tpu.memory_space<hbm>>) target(%dma_start3A_106 : memref<64xf32, #tpu.memory_space<vmem>>) target_semaphore(%dma_start3A_103 : memref<!tpu.dma_semaphore, #tpu.memory_space<semaphore_mem>>)
          %slice3A_110 = vector.extract_strided_slice %get3A_72 {offsets = [2], sizes = [1], strides = [1]} : vector<16xi32> to vector<1xi32>
          %squeeze3A_111 = vector.extract %slice3A_110[0] : i32 from vector<1xi32>
          %mul3A_112 = arith.constant 16 : i32
          %mul3A_113 = arith.muli %scan3A_65, %mul3A_112 : i32
          %add3A_114 = arith.constant 2 : i32
          %add3A_115 = arith.addi %mul3A_113, %add3A_114 : i32
          %dma_start3A_116 = arith.constant 0 : i32
          %dma_start3A_117 = tpu.memref_slice %arg9[%rem3A_58, %add3A_115, %dma_start3A_116] : memref<2x320x64xf32, #tpu.memory_space<vmem>> -> memref<1x1x64xf32, #tpu.memory_space<vmem>>
          %dma_start3A_118 = tpu.memref_squeeze %dma_start3A_117 : memref<1x1x64xf32, #tpu.memory_space<vmem>> -> memref<64xf32, #tpu.memory_space<vmem>>
          %dma_start3A_119 = arith.constant 0 : i32
          %dma_start3A_120 = tpu.memref_slice %arg3[%squeeze3A_111, %dma_start3A_119] : memref<1000000x64xf32, #tpu.memory_space<hbm>> -> memref<1x64xf32, #tpu.memory_space<hbm>>
          %dma_start3A_121 = tpu.memref_squeeze %dma_start3A_120 : memref<1x64xf32, #tpu.memory_space<hbm>> -> memref<64xf32, #tpu.memory_space<hbm>>
          %dma_start3A_122 = tpu.memref_slice %arg13[%rem3A_58] : memref<2x!tpu.dma_semaphore, #tpu.memory_space<semaphore_mem>> -> memref<1x!tpu.dma_semaphore, #tpu.memory_space<semaphore_mem>>
          %dma_start3A_123 = tpu.memref_squeeze %dma_start3A_122 : memref<1x!tpu.dma_semaphore, #tpu.memory_space<semaphore_mem>> -> memref<!tpu.dma_semaphore, #tpu.memory_space<semaphore_mem>>
          %dma_start3A_124 = arith.constant 0 : i32
          %dma_start3A_125 = tpu.memref_slice %arg9[%rem3A_58, %add3A_115, %dma_start3A_124] : memref<2x320x64xf32, #tpu.memory_space<vmem>> -> memref<1x1x64xf32, #tpu.memory_space<vmem>>
          %dma_start3A_126 = tpu.memref_squeeze %dma_start3A_125 : memref<1x1x64xf32, #tpu.memory_space<vmem>> -> memref<64xf32, #tpu.memory_space<vmem>>
          %dma_start3A_127 = arith.constant 0 : i32
          %dma_start3A_128 = tpu.memref_slice %arg3[%squeeze3A_111, %dma_start3A_127] : memref<1000000x64xf32, #tpu.memory_space<hbm>> -> memref<1x64xf32, #tpu.memory_space<hbm>>
          %dma_start3A_129 = tpu.memref_squeeze %dma_start3A_128 : memref<1x64xf32, #tpu.memory_space<hbm>> -> memref<64xf32, #tpu.memory_space<hbm>>
          tpu.enqueue_dma source(%dma_start3A_129 : memref<64xf32, #tpu.memory_space<hbm>>) target(%dma_start3A_126 : memref<64xf32, #tpu.memory_space<vmem>>) target_semaphore(%dma_start3A_123 : memref<!tpu.dma_semaphore, #tpu.memory_space<semaphore_mem>>)
          %slice3A_130 = vector.extract_strided_slice %get3A_72 {offsets = [3], sizes = [1], strides = [1]} : vector<16xi32> to vector<1xi32>
          %squeeze3A_131 = vector.extract %slice3A_130[0] : i32 from vector<1xi32>
          %mul3A_132 = arith.constant 16 : i32
          %mul3A_133 = arith.muli %scan3A_65, %mul3A_132 : i32
          %add3A_134 = arith.constant 3 : i32
          %add3A_135 = arith.addi %mul3A_133, %add3A_134 : i32
          %dma_start3A_136 = arith.constant 0 : i32
          %dma_start3A_137 = tpu.memref_slice %arg9[%rem3A_58, %add3A_135, %dma_start3A_136] : memref<2x320x64xf32, #tpu.memory_space<vmem>> -> memref<1x1x64xf32, #tpu.memory_space<vmem>>
          %dma_start3A_138 = tpu.memref_squeeze %dma_start3A_137 : memref<1x1x64xf32, #tpu.memory_space<vmem>> -> memref<64xf32, #tpu.memory_space<vmem>>
          %dma_start3A_139 = arith.constant 0 : i32
          %dma_start3A_140 = tpu.memref_slice %arg3[%squeeze3A_131, %dma_start3A_139] : memref<1000000x64xf32, #tpu.memory_space<hbm>> -> memref<1x64xf32, #tpu.memory_space<hbm>>
          %dma_start3A_141 = tpu.memref_squeeze %dma_start3A_140 : memref<1x64xf32, #tpu.memory_space<hbm>> -> memref<64xf32, #tpu.memory_space<hbm>>
          %dma_start3A_142 = tpu.memref_slice %arg13[%rem3A_58] : memref<2x!tpu.dma_semaphore, #tpu.memory_space<semaphore_mem>> -> memref<1x!tpu.dma_semaphore, #tpu.memory_space<semaphore_mem>>
          %dma_start3A_143 = tpu.memref_squeeze %dma_start3A_142 : memref<1x!tpu.dma_semaphore, #tpu.memory_space<semaphore_mem>> -> memref<!tpu.dma_semaphore, #tpu.memory_space<semaphore_mem>>
          %dma_start3A_144 = arith.constant 0 : i32
          %dma_start3A_145 = tpu.memref_slice %arg9[%rem3A_58, %add3A_135, %dma_start3A_144] : memref<2x320x64xf32, #tpu.memory_space<vmem>> -> memref<1x1x64xf32, #tpu.memory_space<vmem>>
          %dma_start3A_146 = tpu.memref_squeeze %dma_start3A_145 : memref<1x1x64xf32, #tpu.memory_space<vmem>> -> memref<64xf32, #tpu.memory_space<vmem>>
          %dma_start3A_147 = arith.constant 0 : i32
          %dma_start3A_148 = tpu.memref_slice %arg3[%squeeze3A_131, %dma_start3A_147] : memref<1000000x64xf32, #tpu.memory_space<hbm>> -> memref<1x64xf32, #tpu.memory_space<hbm>>
          %dma_start3A_149 = tpu.memref_squeeze %dma_start3A_148 : memref<1x64xf32, #tpu.memory_space<hbm>> -> memref<64xf32, #tpu.memory_space<hbm>>
          tpu.enqueue_dma source(%dma_start3A_149 : memref<64xf32, #tpu.memory_space<hbm>>) target(%dma_start3A_146 : memref<64xf32, #tpu.memory_space<vmem>>) target_semaphore(%dma_start3A_143 : memref<!tpu.dma_semaphore, #tpu.memory_space<semaphore_mem>>)
          %slice3A_150 = vector.extract_strided_slice %get3A_72 {offsets = [4], sizes = [1], strides = [1]} : vector<16xi32> to vector<1xi32>
          %squeeze3A_151 = vector.extract %slice3A_150[0] : i32 from vector<1xi32>
          %mul3A_152 = arith.constant 16 : i32
          %mul3A_153 = arith.muli %scan3A_65, %mul3A_152 : i32
          %add3A_154 = arith.constant 4 : i32
          %add3A_155 = arith.addi %mul3A_153, %add3A_154 : i32
          %dma_start3A_156 = arith.constant 0 : i32
          %dma_start3A_157 = tpu.memref_slice %arg9[%rem3A_58, %add3A_155, %dma_start3A_156] : memref<2x320x64xf32, #tpu.memory_space<vmem>> -> memref<1x1x64xf32, #tpu.memory_space<vmem>>
          %dma_start3A_158 = tpu.memref_squeeze %dma_start3A_157 : memref<1x1x64xf32, #tpu.memory_space<vmem>> -> memref<64xf32, #tpu.memory_space<vmem>>
          %dma_start3A_159 = arith.constant 0 : i32
          %dma_start3A_160 = tpu.memref_slice %arg3[%squeeze3A_151, %dma_start3A_159] : memref<1000000x64xf32, #tpu.memory_space<hbm>> -> memref<1x64xf32, #tpu.memory_space<hbm>>
          %dma_start3A_161 = tpu.memref_squeeze %dma_start3A_160 : memref<1x64xf32, #tpu.memory_space<hbm>> -> memref<64xf32, #tpu.memory_space<hbm>>
          %dma_start3A_162 = tpu.memref_slice %arg13[%rem3A_58] : memref<2x!tpu.dma_semaphore, #tpu.memory_space<semaphore_mem>> -> memref<1x!tpu.dma_semaphore, #tpu.memory_space<semaphore_mem>>
          %dma_start3A_163 = tpu.memref_squeeze %dma_start3A_162 : memref<1x!tpu.dma_semaphore, #tpu.memory_space<semaphore_mem>> -> memref<!tpu.dma_semaphore, #tpu.memory_space<semaphore_mem>>
          %dma_start3A_164 = arith.constant 0 : i32
          %dma_start3A_165 = tpu.memref_slice %arg9[%rem3A_58, %add3A_155, %dma_start3A_164] : memref<2x320x64xf32, #tpu.memory_space<vmem>> -> memref<1x1x64xf32, #tpu.memory_space<vmem>>
          %dma_start3A_166 = tpu.memref_squeeze %dma_start3A_165 : memref<1x1x64xf32, #tpu.memory_space<vmem>> -> memref<64xf32, #tpu.memory_space<vmem>>
          %dma_start3A_167 = arith.constant 0 : i32
          %dma_start3A_168 = tpu.memref_slice %arg3[%squeeze3A_151, %dma_start3A_167] : memref<1000000x64xf32, #tpu.memory_space<hbm>> -> memref<1x64xf32, #tpu.memory_space<hbm>>
          %dma_start3A_169 = tpu.memref_squeeze %dma_start3A_168 : memref<1x64xf32, #tpu.memory_space<hbm>> -> memref<64xf32, #tpu.memory_space<hbm>>
          tpu.enqueue_dma source(%dma_start3A_169 : memref<64xf32, #tpu.memory_space<hbm>>) target(%dma_start3A_166 : memref<64xf32, #tpu.memory_space<vmem>>) target_semaphore(%dma_start3A_163 : memref<!tpu.dma_semaphore, #tpu.memory_space<semaphore_mem>>)
          %slice3A_170 = vector.extract_strided_slice %get3A_72 {offsets = [5], sizes = [1], strides = [1]} : vector<16xi32> to vector<1xi32>
          %squeeze3A_171 = vector.extract %slice3A_170[0] : i32 from vector<1xi32>
          %mul3A_172 = arith.constant 16 : i32
          %mul3A_173 = arith.muli %scan3A_65, %mul3A_172 : i32
          %add3A_174 = arith.constant 5 : i32
          %add3A_175 = arith.addi %mul3A_173, %add3A_174 : i32
          %dma_start3A_176 = arith.constant 0 : i32
          %dma_start3A_177 = tpu.memref_slice %arg9[%rem3A_58, %add3A_175, %dma_start3A_176] : memref<2x320x64xf32, #tpu.memory_space<vmem>> -> memref<1x1x64xf32, #tpu.memory_space<vmem>>
          %dma_start3A_178 = tpu.memref_squeeze %dma_start3A_177 : memref<1x1x64xf32, #tpu.memory_space<vmem>> -> memref<64xf32, #tpu.memory_space<vmem>>
          %dma_start3A_179 = arith.constant 0 : i32
          %dma_start3A_180 = tpu.memref_slice %arg3[%squeeze3A_171, %dma_start3A_179] : memref<1000000x64xf32, #tpu.memory_space<hbm>> -> memref<1x64xf32, #tpu.memory_space<hbm>>
          %dma_start3A_181 = tpu.memref_squeeze %dma_start3A_180 : memref<1x64xf32, #tpu.memory_space<hbm>> -> memref<64xf32, #tpu.memory_space<hbm>>
          %dma_start3A_182 = tpu.memref_slice %arg13[%rem3A_58] : memref<2x!tpu.dma_semaphore, #tpu.memory_space<semaphore_mem>> -> memref<1x!tpu.dma_semaphore, #tpu.memory_space<semaphore_mem>>
          %dma_start3A_183 = tpu.memref_squeeze %dma_start3A_182 : memref<1x!tpu.dma_semaphore, #tpu.memory_space<semaphore_mem>> -> memref<!tpu.dma_semaphore, #tpu.memory_space<semaphore_mem>>
          %dma_start3A_184 = arith.constant 0 : i32
          %dma_start3A_185 = tpu.memref_slice %arg9[%rem3A_58, %add3A_175, %dma_start3A_184] : memref<2x320x64xf32, #tpu.memory_space<vmem>> -> memref<1x1x64xf32, #tpu.memory_space<vmem>>
          %dma_start3A_186 = tpu.memref_squeeze %dma_start3A_185 : memref<1x1x64xf32, #tpu.memory_space<vmem>> -> memref<64xf32, #tpu.memory_space<vmem>>
          %dma_start3A_187 = arith.constant 0 : i32
          %dma_start3A_188 = tpu.memref_slice %arg3[%squeeze3A_171, %dma_start3A_187] : memref<1000000x64xf32, #tpu.memory_space<hbm>> -> memref<1x64xf32, #tpu.memory_space<hbm>>
          %dma_start3A_189 = tpu.memref_squeeze %dma_start3A_188 : memref<1x64xf32, #tpu.memory_space<hbm>> -> memref<64xf32, #tpu.memory_space<hbm>>
          tpu.enqueue_dma source(%dma_start3A_189 : memref<64xf32, #tpu.memory_space<hbm>>) target(%dma_start3A_186 : memref<64xf32, #tpu.memory_space<vmem>>) target_semaphore(%dma_start3A_183 : memref<!tpu.dma_semaphore, #tpu.memory_space<semaphore_mem>>)
          %slice3A_190 = vector.extract_strided_slice %get3A_72 {offsets = [6], sizes = [1], strides = [1]} : vector<16xi32> to vector<1xi32>
          %squeeze3A_191 = vector.extract %slice3A_190[0] : i32 from vector<1xi32>
          %mul3A_192 = arith.constant 16 : i32
          %mul3A_193 = arith.muli %scan3A_65, %mul3A_192 : i32
          %add3A_194 = arith.constant 6 : i32
          %add3A_195 = arith.addi %mul3A_193, %add3A_194 : i32
          %dma_start3A_196 = arith.constant 0 : i32
          %dma_start3A_197 = tpu.memref_slice %arg9[%rem3A_58, %add3A_195, %dma_start3A_196] : memref<2x320x64xf32, #tpu.memory_space<vmem>> -> memref<1x1x64xf32, #tpu.memory_space<vmem>>
          %dma_start3A_198 = tpu.memref_squeeze %dma_start3A_197 : memref<1x1x64xf32, #tpu.memory_space<vmem>> -> memref<64xf32, #tpu.memory_space<vmem>>
          %dma_start3A_199 = arith.constant 0 : i32
          %dma_start3A_200 = tpu.memref_slice %arg3[%squeeze3A_191, %dma_start3A_199] : memref<1000000x64xf32, #tpu.memory_space<hbm>> -> memref<1x64xf32, #tpu.memory_space<hbm>>
          %dma_start3A_201 = tpu.memref_squeeze %dma_start3A_200 : memref<1x64xf32, #tpu.memory_space<hbm>> -> memref<64xf32, #tpu.memory_space<hbm>>
          %dma_start3A_202 = tpu.memref_slice %arg13[%rem3A_58] : memref<2x!tpu.dma_semaphore, #tpu.memory_space<semaphore_mem>> -> memref<1x!tpu.dma_semaphore, #tpu.memory_space<semaphore_mem>>
          %dma_start3A_203 = tpu.memref_squeeze %dma_start3A_202 : memref<1x!tpu.dma_semaphore, #tpu.memory_space<semaphore_mem>> -> memref<!tpu.dma_semaphore, #tpu.memory_space<semaphore_mem>>
          %dma_start3A_204 = arith.constant 0 : i32
          %dma_start3A_205 = tpu.memref_slice %arg9[%rem3A_58, %add3A_195, %dma_start3A_204] : memref<2x320x64xf32, #tpu.memory_space<vmem>> -> memref<1x1x64xf32, #tpu.memory_space<vmem>>
          %dma_start3A_206 = tpu.memref_squeeze %dma_start3A_205 : memref<1x1x64xf32, #tpu.memory_space<vmem>> -> memref<64xf32, #tpu.memory_space<vmem>>
          %dma_start3A_207 = arith.constant 0 : i32
          %dma_start3A_208 = tpu.memref_slice %arg3[%squeeze3A_191, %dma_start3A_207] : memref<1000000x64xf32, #tpu.memory_space<hbm>> -> memref<1x64xf32, #tpu.memory_space<hbm>>
          %dma_start3A_209 = tpu.memref_squeeze %dma_start3A_208 : memref<1x64xf32, #tpu.memory_space<hbm>> -> memref<64xf32, #tpu.memory_space<hbm>>
          tpu.enqueue_dma source(%dma_start3A_209 : memref<64xf32, #tpu.memory_space<hbm>>) target(%dma_start3A_206 : memref<64xf32, #tpu.memory_space<vmem>>) target_semaphore(%dma_start3A_203 : memref<!tpu.dma_semaphore, #tpu.memory_space<semaphore_mem>>)
          %slice3A_210 = vector.extract_strided_slice %get3A_72 {offsets = [7], sizes = [1], strides = [1]} : vector<16xi32> to vector<1xi32>
          %squeeze3A_211 = vector.extract %slice3A_210[0] : i32 from vector<1xi32>
          %mul3A_212 = arith.constant 16 : i32
          %mul3A_213 = arith.muli %scan3A_65, %mul3A_212 : i32
          %add3A_214 = arith.constant 7 : i32
          %add3A_215 = arith.addi %mul3A_213, %add3A_214 : i32
          %dma_start3A_216 = arith.constant 0 : i32
          %dma_start3A_217 = tpu.memref_slice %arg9[%rem3A_58, %add3A_215, %dma_start3A_216] : memref<2x320x64xf32, #tpu.memory_space<vmem>> -> memref<1x1x64xf32, #tpu.memory_space<vmem>>
          %dma_start3A_218 = tpu.memref_squeeze %dma_start3A_217 : memref<1x1x64xf32, #tpu.memory_space<vmem>> -> memref<64xf32, #tpu.memory_space<vmem>>
          %dma_start3A_219 = arith.constant 0 : i32
          %dma_start3A_220 = tpu.memref_slice %arg3[%squeeze3A_211, %dma_start3A_219] : memref<1000000x64xf32, #tpu.memory_space<hbm>> -> memref<1x64xf32, #tpu.memory_space<hbm>>
          %dma_start3A_221 = tpu.memref_squeeze %dma_start3A_220 : memref<1x64xf32, #tpu.memory_space<hbm>> -> memref<64xf32, #tpu.memory_space<hbm>>
          %dma_start3A_222 = tpu.memref_slice %arg13[%rem3A_58] : memref<2x!tpu.dma_semaphore, #tpu.memory_space<semaphore_mem>> -> memref<1x!tpu.dma_semaphore, #tpu.memory_space<semaphore_mem>>
          %dma_start3A_223 = tpu.memref_squeeze %dma_start3A_222 : memref<1x!tpu.dma_semaphore, #tpu.memory_space<semaphore_mem>> -> memref<!tpu.dma_semaphore, #tpu.memory_space<semaphore_mem>>
          %dma_start3A_224 = arith.constant 0 : i32
          %dma_start3A_225 = tpu.memref_slice %arg9[%rem3A_58, %add3A_215, %dma_start3A_224] : memref<2x320x64xf32, #tpu.memory_space<vmem>> -> memref<1x1x64xf32, #tpu.memory_space<vmem>>
          %dma_start3A_226 = tpu.memref_squeeze %dma_start3A_225 : memref<1x1x64xf32, #tpu.memory_space<vmem>> -> memref<64xf32, #tpu.memory_space<vmem>>
          %dma_start3A_227 = arith.constant 0 : i32
          %dma_start3A_228 = tpu.memref_slice %arg3[%squeeze3A_211, %dma_start3A_227] : memref<1000000x64xf32, #tpu.memory_space<hbm>> -> memref<1x64xf32, #tpu.memory_space<hbm>>
          %dma_start3A_229 = tpu.memref_squeeze %dma_start3A_228 : memref<1x64xf32, #tpu.memory_space<hbm>> -> memref<64xf32, #tpu.memory_space<hbm>>
          tpu.enqueue_dma source(%dma_start3A_229 : memref<64xf32, #tpu.memory_space<hbm>>) target(%dma_start3A_226 : memref<64xf32, #tpu.memory_space<vmem>>) target_semaphore(%dma_start3A_223 : memref<!tpu.dma_semaphore, #tpu.memory_space<semaphore_mem>>)
          %slice3A_230 = vector.extract_strided_slice %get3A_72 {offsets = [8], sizes = [1], strides = [1]} : vector<16xi32> to vector<1xi32>
          %squeeze3A_231 = vector.extract %slice3A_230[0] : i32 from vector<1xi32>
          %mul3A_232 = arith.constant 16 : i32
          %mul3A_233 = arith.muli %scan3A_65, %mul3A_232 : i32
          %add3A_234 = arith.constant 8 : i32
          %add3A_235 = arith.addi %mul3A_233, %add3A_234 : i32
          %dma_start3A_236 = arith.constant 0 : i32
          %dma_start3A_237 = tpu.memref_slice %arg9[%rem3A_58, %add3A_235, %dma_start3A_236] : memref<2x320x64xf32, #tpu.memory_space<vmem>> -> memref<1x1x64xf32, #tpu.memory_space<vmem>>
          %dma_start3A_238 = tpu.memref_squeeze %dma_start3A_237 : memref<1x1x64xf32, #tpu.memory_space<vmem>> -> memref<64xf32, #tpu.memory_space<vmem>>
          %dma_start3A_239 = arith.constant 0 : i32
          %dma_start3A_240 = tpu.memref_slice %arg3[%squeeze3A_231, %dma_start3A_239] : memref<1000000x64xf32, #tpu.memory_space<hbm>> -> memref<1x64xf32, #tpu.memory_space<hbm>>
          %dma_start3A_241 = tpu.memref_squeeze %dma_start3A_240 : memref<1x64xf32, #tpu.memory_space<hbm>> -> memref<64xf32, #tpu.memory_space<hbm>>
          %dma_start3A_242 = tpu.memref_slice %arg13[%rem3A_58] : memref<2x!tpu.dma_semaphore, #tpu.memory_space<semaphore_mem>> -> memref<1x!tpu.dma_semaphore, #tpu.memory_space<semaphore_mem>>
          %dma_start3A_243 = tpu.memref_squeeze %dma_start3A_242 : memref<1x!tpu.dma_semaphore, #tpu.memory_space<semaphore_mem>> -> memref<!tpu.dma_semaphore, #tpu.memory_space<semaphore_mem>>
          %dma_start3A_244 = arith.constant 0 : i32
          %dma_start3A_245 = tpu.memref_slice %arg9[%rem3A_58, %add3A_235, %dma_start3A_244] : memref<2x320x64xf32, #tpu.memory_space<vmem>> -> memref<1x1x64xf32, #tpu.memory_space<vmem>>
          %dma_start3A_246 = tpu.memref_squeeze %dma_start3A_245 : memref<1x1x64xf32, #tpu.memory_space<vmem>> -> memref<64xf32, #tpu.memory_space<vmem>>
          %dma_start3A_247 = arith.constant 0 : i32
          %dma_start3A_248 = tpu.memref_slice %arg3[%squeeze3A_231, %dma_start3A_247] : memref<1000000x64xf32, #tpu.memory_space<hbm>> -> memref<1x64xf32, #tpu.memory_space<hbm>>
          %dma_start3A_249 = tpu.memref_squeeze %dma_start3A_248 : memref<1x64xf32, #tpu.memory_space<hbm>> -> memref<64xf32, #tpu.memory_space<hbm>>
          tpu.enqueue_dma source(%dma_start3A_249 : memref<64xf32, #tpu.memory_space<hbm>>) target(%dma_start3A_246 : memref<64xf32, #tpu.memory_space<vmem>>) target_semaphore(%dma_start3A_243 : memref<!tpu.dma_semaphore, #tpu.memory_space<semaphore_mem>>)
          %slice3A_250 = vector.extract_strided_slice %get3A_72 {offsets = [9], sizes = [1], strides = [1]} : vector<16xi32> to vector<1xi32>
          %squeeze3A_251 = vector.extract %slice3A_250[0] : i32 from vector<1xi32>
          %mul3A_252 = arith.constant 16 : i32
          %mul3A_253 = arith.muli %scan3A_65, %mul3A_252 : i32
          %add3A_254 = arith.constant 9 : i32
          %add3A_255 = arith.addi %mul3A_253, %add3A_254 : i32
          %dma_start3A_256 = arith.constant 0 : i32
          %dma_start3A_257 = tpu.memref_slice %arg9[%rem3A_58, %add3A_255, %dma_start3A_256] : memref<2x320x64xf32, #tpu.memory_space<vmem>> -> memref<1x1x64xf32, #tpu.memory_space<vmem>>
          %dma_start3A_258 = tpu.memref_squeeze %dma_start3A_257 : memref<1x1x64xf32, #tpu.memory_space<vmem>> -> memref<64xf32, #tpu.memory_space<vmem>>
          %dma_start3A_259 = arith.constant 0 : i32
          %dma_start3A_260 = tpu.memref_slice %arg3[%squeeze3A_251, %dma_start3A_259] : memref<1000000x64xf32, #tpu.memory_space<hbm>> -> memref<1x64xf32, #tpu.memory_space<hbm>>
          %dma_start3A_261 = tpu.memref_squeeze %dma_start3A_260 : memref<1x64xf32, #tpu.memory_space<hbm>> -> memref<64xf32, #tpu.memory_space<hbm>>
          %dma_start3A_262 = tpu.memref_slice %arg13[%rem3A_58] : memref<2x!tpu.dma_semaphore, #tpu.memory_space<semaphore_mem>> -> memref<1x!tpu.dma_semaphore, #tpu.memory_space<semaphore_mem>>
          %dma_start3A_263 = tpu.memref_squeeze %dma_start3A_262 : memref<1x!tpu.dma_semaphore, #tpu.memory_space<semaphore_mem>> -> memref<!tpu.dma_semaphore, #tpu.memory_space<semaphore_mem>>
          %dma_start3A_264 = arith.constant 0 : i32
          %dma_start3A_265 = tpu.memref_slice %arg9[%rem3A_58, %add3A_255, %dma_start3A_264] : memref<2x320x64xf32, #tpu.memory_space<vmem>> -> memref<1x1x64xf32, #tpu.memory_space<vmem>>
          %dma_start3A_266 = tpu.memref_squeeze %dma_start3A_265 : memref<1x1x64xf32, #tpu.memory_space<vmem>> -> memref<64xf32, #tpu.memory_space<vmem>>
          %dma_start3A_267 = arith.constant 0 : i32
          %dma_start3A_268 = tpu.memref_slice %arg3[%squeeze3A_251, %dma_start3A_267] : memref<1000000x64xf32, #tpu.memory_space<hbm>> -> memref<1x64xf32, #tpu.memory_space<hbm>>
          %dma_start3A_269 = tpu.memref_squeeze %dma_start3A_268 : memref<1x64xf32, #tpu.memory_space<hbm>> -> memref<64xf32, #tpu.memory_space<hbm>>
          tpu.enqueue_dma source(%dma_start3A_269 : memref<64xf32, #tpu.memory_space<hbm>>) target(%dma_start3A_266 : memref<64xf32, #tpu.memory_space<vmem>>) target_semaphore(%dma_start3A_263 : memref<!tpu.dma_semaphore, #tpu.memory_space<semaphore_mem>>)
          %slice3A_270 = vector.extract_strided_slice %get3A_72 {offsets = [10], sizes = [1], strides = [1]} : vector<16xi32> to vector<1xi32>
          %squeeze3A_271 = vector.extract %slice3A_270[0] : i32 from vector<1xi32>
          %mul3A_272 = arith.constant 16 : i32
          %mul3A_273 = arith.muli %scan3A_65, %mul3A_272 : i32
          %add3A_274 = arith.constant 10 : i32
          %add3A_275 = arith.addi %mul3A_273, %add3A_274 : i32
          %dma_start3A_276 = arith.constant 0 : i32
          %dma_start3A_277 = tpu.memref_slice %arg9[%rem3A_58, %add3A_275, %dma_start3A_276] : memref<2x320x64xf32, #tpu.memory_space<vmem>> -> memref<1x1x64xf32, #tpu.memory_space<vmem>>
          %dma_start3A_278 = tpu.memref_squeeze %dma_start3A_277 : memref<1x1x64xf32, #tpu.memory_space<vmem>> -> memref<64xf32, #tpu.memory_space<vmem>>
          %dma_start3A_279 = arith.constant 0 : i32
          %dma_start3A_280 = tpu.memref_slice %arg3[%squeeze3A_271, %dma_start3A_279] : memref<1000000x64xf32, #tpu.memory_space<hbm>> -> memref<1x64xf32, #tpu.memory_space<hbm>>
          %dma_start3A_281 = tpu.memref_squeeze %dma_start3A_280 : memref<1x64xf32, #tpu.memory_space<hbm>> -> memref<64xf32, #tpu.memory_space<hbm>>
          %dma_start3A_282 = tpu.memref_slice %arg13[%rem3A_58] : memref<2x!tpu.dma_semaphore, #tpu.memory_space<semaphore_mem>> -> memref<1x!tpu.dma_semaphore, #tpu.memory_space<semaphore_mem>>
          %dma_start3A_283 = tpu.memref_squeeze %dma_start3A_282 : memref<1x!tpu.dma_semaphore, #tpu.memory_space<semaphore_mem>> -> memref<!tpu.dma_semaphore, #tpu.memory_space<semaphore_mem>>
          %dma_start3A_284 = arith.constant 0 : i32
          %dma_start3A_285 = tpu.memref_slice %arg9[%rem3A_58, %add3A_275, %dma_start3A_284] : memref<2x320x64xf32, #tpu.memory_space<vmem>> -> memref<1x1x64xf32, #tpu.memory_space<vmem>>
          %dma_start3A_286 = tpu.memref_squeeze %dma_start3A_285 : memref<1x1x64xf32, #tpu.memory_space<vmem>> -> memref<64xf32, #tpu.memory_space<vmem>>
          %dma_start3A_287 = arith.constant 0 : i32
          %dma_start3A_288 = tpu.memref_slice %arg3[%squeeze3A_271, %dma_start3A_287] : memref<1000000x64xf32, #tpu.memory_space<hbm>> -> memref<1x64xf32, #tpu.memory_space<hbm>>
          %dma_start3A_289 = tpu.memref_squeeze %dma_start3A_288 : memref<1x64xf32, #tpu.memory_space<hbm>> -> memref<64xf32, #tpu.memory_space<hbm>>
          tpu.enqueue_dma source(%dma_start3A_289 : memref<64xf32, #tpu.memory_space<hbm>>) target(%dma_start3A_286 : memref<64xf32, #tpu.memory_space<vmem>>) target_semaphore(%dma_start3A_283 : memref<!tpu.dma_semaphore, #tpu.memory_space<semaphore_mem>>)
          %slice3A_290 = vector.extract_strided_slice %get3A_72 {offsets = [11], sizes = [1], strides = [1]} : vector<16xi32> to vector<1xi32>
          %squeeze3A_291 = vector.extract %slice3A_290[0] : i32 from vector<1xi32>
          %mul3A_292 = arith.constant 16 : i32
          %mul3A_293 = arith.muli %scan3A_65, %mul3A_292 : i32
          %add3A_294 = arith.constant 11 : i32
          %add3A_295 = arith.addi %mul3A_293, %add3A_294 : i32
          %dma_start3A_296 = arith.constant 0 : i32
          %dma_start3A_297 = tpu.memref_slice %arg9[%rem3A_58, %add3A_295, %dma_start3A_296] : memref<2x320x64xf32, #tpu.memory_space<vmem>> -> memref<1x1x64xf32, #tpu.memory_space<vmem>>
          %dma_start3A_298 = tpu.memref_squeeze %dma_start3A_297 : memref<1x1x64xf32, #tpu.memory_space<vmem>> -> memref<64xf32, #tpu.memory_space<vmem>>
          %dma_start3A_299 = arith.constant 0 : i32
          %dma_start3A_300 = tpu.memref_slice %arg3[%squeeze3A_291, %dma_start3A_299] : memref<1000000x64xf32, #tpu.memory_space<hbm>> -> memref<1x64xf32, #tpu.memory_space<hbm>>
          %dma_start3A_301 = tpu.memref_squeeze %dma_start3A_300 : memref<1x64xf32, #tpu.memory_space<hbm>> -> memref<64xf32, #tpu.memory_space<hbm>>
          %dma_start3A_302 = tpu.memref_slice %arg13[%rem3A_58] : memref<2x!tpu.dma_semaphore, #tpu.memory_space<semaphore_mem>> -> memref<1x!tpu.dma_semaphore, #tpu.memory_space<semaphore_mem>>
          %dma_start3A_303 = tpu.memref_squeeze %dma_start3A_302 : memref<1x!tpu.dma_semaphore, #tpu.memory_space<semaphore_mem>> -> memref<!tpu.dma_semaphore, #tpu.memory_space<semaphore_mem>>
          %dma_start3A_304 = arith.constant 0 : i32
          %dma_start3A_305 = tpu.memref_slice %arg9[%rem3A_58, %add3A_295, %dma_start3A_304] : memref<2x320x64xf32, #tpu.memory_space<vmem>> -> memref<1x1x64xf32, #tpu.memory_space<vmem>>
          %dma_start3A_306 = tpu.memref_squeeze %dma_start3A_305 : memref<1x1x64xf32, #tpu.memory_space<vmem>> -> memref<64xf32, #tpu.memory_space<vmem>>
          %dma_start3A_307 = arith.constant 0 : i32
          %dma_start3A_308 = tpu.memref_slice %arg3[%squeeze3A_291, %dma_start3A_307] : memref<1000000x64xf32, #tpu.memory_space<hbm>> -> memref<1x64xf32, #tpu.memory_space<hbm>>
          %dma_start3A_309 = tpu.memref_squeeze %dma_start3A_308 : memref<1x64xf32, #tpu.memory_space<hbm>> -> memref<64xf32, #tpu.memory_space<hbm>>
          tpu.enqueue_dma source(%dma_start3A_309 : memref<64xf32, #tpu.memory_space<hbm>>) target(%dma_start3A_306 : memref<64xf32, #tpu.memory_space<vmem>>) target_semaphore(%dma_start3A_303 : memref<!tpu.dma_semaphore, #tpu.memory_space<semaphore_mem>>)
          %slice3A_310 = vector.extract_strided_slice %get3A_72 {offsets = [12], sizes = [1], strides = [1]} : vector<16xi32> to vector<1xi32>
          %squeeze3A_311 = vector.extract %slice3A_310[0] : i32 from vector<1xi32>
          %mul3A_312 = arith.constant 16 : i32
          %mul3A_313 = arith.muli %scan3A_65, %mul3A_312 : i32
          %add3A_314 = arith.constant 12 : i32
          %add3A_315 = arith.addi %mul3A_313, %add3A_314 : i32
          %dma_start3A_316 = arith.constant 0 : i32
          %dma_start3A_317 = tpu.memref_slice %arg9[%rem3A_58, %add3A_315, %dma_start3A_316] : memref<2x320x64xf32, #tpu.memory_space<vmem>> -> memref<1x1x64xf32, #tpu.memory_space<vmem>>
          %dma_start3A_318 = tpu.memref_squeeze %dma_start3A_317 : memref<1x1x64xf32, #tpu.memory_space<vmem>> -> memref<64xf32, #tpu.memory_space<vmem>>
          %dma_start3A_319 = arith.constant 0 : i32
          %dma_start3A_320 = tpu.memref_slice %arg3[%squeeze3A_311, %dma_start3A_319] : memref<1000000x64xf32, #tpu.memory_space<hbm>> -> memref<1x64xf32, #tpu.memory_space<hbm>>
          %dma_start3A_321 = tpu.memref_squeeze %dma_start3A_320 : memref<1x64xf32, #tpu.memory_space<hbm>> -> memref<64xf32, #tpu.memory_space<hbm>>
          %dma_start3A_322 = tpu.memref_slice %arg13[%rem3A_58] : memref<2x!tpu.dma_semaphore, #tpu.memory_space<semaphore_mem>> -> memref<1x!tpu.dma_semaphore, #tpu.memory_space<semaphore_mem>>
          %dma_start3A_323 = tpu.memref_squeeze %dma_start3A_322 : memref<1x!tpu.dma_semaphore, #tpu.memory_space<semaphore_mem>> -> memref<!tpu.dma_semaphore, #tpu.memory_space<semaphore_mem>>
          %dma_start3A_324 = arith.constant 0 : i32
          %dma_start3A_325 = tpu.memref_slice %arg9[%rem3A_58, %add3A_315, %dma_start3A_324] : memref<2x320x64xf32, #tpu.memory_space<vmem>> -> memref<1x1x64xf32, #tpu.memory_space<vmem>>
          %dma_start3A_326 = tpu.memref_squeeze %dma_start3A_325 : memref<1x1x64xf32, #tpu.memory_space<vmem>> -> memref<64xf32, #tpu.memory_space<vmem>>
          %dma_start3A_327 = arith.constant 0 : i32
          %dma_start3A_328 = tpu.memref_slice %arg3[%squeeze3A_311, %dma_start3A_327] : memref<1000000x64xf32, #tpu.memory_space<hbm>> -> memref<1x64xf32, #tpu.memory_space<hbm>>
          %dma_start3A_329 = tpu.memref_squeeze %dma_start3A_328 : memref<1x64xf32, #tpu.memory_space<hbm>> -> memref<64xf32, #tpu.memory_space<hbm>>
          tpu.enqueue_dma source(%dma_start3A_329 : memref<64xf32, #tpu.memory_space<hbm>>) target(%dma_start3A_326 : memref<64xf32, #tpu.memory_space<vmem>>) target_semaphore(%dma_start3A_323 : memref<!tpu.dma_semaphore, #tpu.memory_space<semaphore_mem>>)
          %slice3A_330 = vector.extract_strided_slice %get3A_72 {offsets = [13], sizes = [1], strides = [1]} : vector<16xi32> to vector<1xi32>
          %squeeze3A_331 = vector.extract %slice3A_330[0] : i32 from vector<1xi32>
          %mul3A_332 = arith.constant 16 : i32
          %mul3A_333 = arith.muli %scan3A_65, %mul3A_332 : i32
          %add3A_334 = arith.constant 13 : i32
          %add3A_335 = arith.addi %mul3A_333, %add3A_334 : i32
          %dma_start3A_336 = arith.constant 0 : i32
          %dma_start3A_337 = tpu.memref_slice %arg9[%rem3A_58, %add3A_335, %dma_start3A_336] : memref<2x320x64xf32, #tpu.memory_space<vmem>> -> memref<1x1x64xf32, #tpu.memory_space<vmem>>
          %dma_start3A_338 = tpu.memref_squeeze %dma_start3A_337 : memref<1x1x64xf32, #tpu.memory_space<vmem>> -> memref<64xf32, #tpu.memory_space<vmem>>
          %dma_start3A_339 = arith.constant 0 : i32
          %dma_start3A_340 = tpu.memref_slice %arg3[%squeeze3A_331, %dma_start3A_339] : memref<1000000x64xf32, #tpu.memory_space<hbm>> -> memref<1x64xf32, #tpu.memory_space<hbm>>
          %dma_start3A_341 = tpu.memref_squeeze %dma_start3A_340 : memref<1x64xf32, #tpu.memory_space<hbm>> -> memref<64xf32, #tpu.memory_space<hbm>>
          %dma_start3A_342 = tpu.memref_slice %arg13[%rem3A_58] : memref<2x!tpu.dma_semaphore, #tpu.memory_space<semaphore_mem>> -> memref<1x!tpu.dma_semaphore, #tpu.memory_space<semaphore_mem>>
          %dma_start3A_343 = tpu.memref_squeeze %dma_start3A_342 : memref<1x!tpu.dma_semaphore, #tpu.memory_space<semaphore_mem>> -> memref<!tpu.dma_semaphore, #tpu.memory_space<semaphore_mem>>
          %dma_start3A_344 = arith.constant 0 : i32
          %dma_start3A_345 = tpu.memref_slice %arg9[%rem3A_58, %add3A_335, %dma_start3A_344] : memref<2x320x64xf32, #tpu.memory_space<vmem>> -> memref<1x1x64xf32, #tpu.memory_space<vmem>>
          %dma_start3A_346 = tpu.memref_squeeze %dma_start3A_345 : memref<1x1x64xf32, #tpu.memory_space<vmem>> -> memref<64xf32, #tpu.memory_space<vmem>>
          %dma_start3A_347 = arith.constant 0 : i32
          %dma_start3A_348 = tpu.memref_slice %arg3[%squeeze3A_331, %dma_start3A_347] : memref<1000000x64xf32, #tpu.memory_space<hbm>> -> memref<1x64xf32, #tpu.memory_space<hbm>>
          %dma_start3A_349 = tpu.memref_squeeze %dma_start3A_348 : memref<1x64xf32, #tpu.memory_space<hbm>> -> memref<64xf32, #tpu.memory_space<hbm>>
          tpu.enqueue_dma source(%dma_start3A_349 : memref<64xf32, #tpu.memory_space<hbm>>) target(%dma_start3A_346 : memref<64xf32, #tpu.memory_space<vmem>>) target_semaphore(%dma_start3A_343 : memref<!tpu.dma_semaphore, #tpu.memory_space<semaphore_mem>>)
          %slice3A_350 = vector.extract_strided_slice %get3A_72 {offsets = [14], sizes = [1], strides = [1]} : vector<16xi32> to vector<1xi32>
          %squeeze3A_351 = vector.extract %slice3A_350[0] : i32 from vector<1xi32>
          %mul3A_352 = arith.constant 16 : i32
          %mul3A_353 = arith.muli %scan3A_65, %mul3A_352 : i32
          %add3A_354 = arith.constant 14 : i32
          %add3A_355 = arith.addi %mul3A_353, %add3A_354 : i32
          %dma_start3A_356 = arith.constant 0 : i32
          %dma_start3A_357 = tpu.memref_slice %arg9[%rem3A_58, %add3A_355, %dma_start3A_356] : memref<2x320x64xf32, #tpu.memory_space<vmem>> -> memref<1x1x64xf32, #tpu.memory_space<vmem>>
          %dma_start3A_358 = tpu.memref_squeeze %dma_start3A_357 : memref<1x1x64xf32, #tpu.memory_space<vmem>> -> memref<64xf32, #tpu.memory_space<vmem>>
          %dma_start3A_359 = arith.constant 0 : i32
          %dma_start3A_360 = tpu.memref_slice %arg3[%squeeze3A_351, %dma_start3A_359] : memref<1000000x64xf32, #tpu.memory_space<hbm>> -> memref<1x64xf32, #tpu.memory_space<hbm>>
          %dma_start3A_361 = tpu.memref_squeeze %dma_start3A_360 : memref<1x64xf32, #tpu.memory_space<hbm>> -> memref<64xf32, #tpu.memory_space<hbm>>
          %dma_start3A_362 = tpu.memref_slice %arg13[%rem3A_58] : memref<2x!tpu.dma_semaphore, #tpu.memory_space<semaphore_mem>> -> memref<1x!tpu.dma_semaphore, #tpu.memory_space<semaphore_mem>>
          %dma_start3A_363 = tpu.memref_squeeze %dma_start3A_362 : memref<1x!tpu.dma_semaphore, #tpu.memory_space<semaphore_mem>> -> memref<!tpu.dma_semaphore, #tpu.memory_space<semaphore_mem>>
          %dma_start3A_364 = arith.constant 0 : i32
          %dma_start3A_365 = tpu.memref_slice %arg9[%rem3A_58, %add3A_355, %dma_start3A_364] : memref<2x320x64xf32, #tpu.memory_space<vmem>> -> memref<1x1x64xf32, #tpu.memory_space<vmem>>
          %dma_start3A_366 = tpu.memref_squeeze %dma_start3A_365 : memref<1x1x64xf32, #tpu.memory_space<vmem>> -> memref<64xf32, #tpu.memory_space<vmem>>
          %dma_start3A_367 = arith.constant 0 : i32
          %dma_start3A_368 = tpu.memref_slice %arg3[%squeeze3A_351, %dma_start3A_367] : memref<1000000x64xf32, #tpu.memory_space<hbm>> -> memref<1x64xf32, #tpu.memory_space<hbm>>
          %dma_start3A_369 = tpu.memref_squeeze %dma_start3A_368 : memref<1x64xf32, #tpu.memory_space<hbm>> -> memref<64xf32, #tpu.memory_space<hbm>>
          tpu.enqueue_dma source(%dma_start3A_369 : memref<64xf32, #tpu.memory_space<hbm>>) target(%dma_start3A_366 : memref<64xf32, #tpu.memory_space<vmem>>) target_semaphore(%dma_start3A_363 : memref<!tpu.dma_semaphore, #tpu.memory_space<semaphore_mem>>)
          %slice3A_370 = vector.extract_strided_slice %get3A_72 {offsets = [15], sizes = [1], strides = [1]} : vector<16xi32> to vector<1xi32>
          %squeeze3A_371 = vector.extract %slice3A_370[0] : i32 from vector<1xi32>
          %mul3A_372 = arith.constant 16 : i32
          %mul3A_373 = arith.muli %scan3A_65, %mul3A_372 : i32
          %add3A_374 = arith.constant 15 : i32
          %add3A_375 = arith.addi %mul3A_373, %add3A_374 : i32
          %dma_start3A_376 = arith.constant 0 : i32
          %dma_start3A_377 = tpu.memref_slice %arg9[%rem3A_58, %add3A_375, %dma_start3A_376] : memref<2x320x64xf32, #tpu.memory_space<vmem>> -> memref<1x1x64xf32, #tpu.memory_space<vmem>>
          %dma_start3A_378 = tpu.memref_squeeze %dma_start3A_377 : memref<1x1x64xf32, #tpu.memory_space<vmem>> -> memref<64xf32, #tpu.memory_space<vmem>>
          %dma_start3A_379 = arith.constant 0 : i32
          %dma_start3A_380 = tpu.memref_slice %arg3[%squeeze3A_371, %dma_start3A_379] : memref<1000000x64xf32, #tpu.memory_space<hbm>> -> memref<1x64xf32, #tpu.memory_space<hbm>>
          %dma_start3A_381 = tpu.memref_squeeze %dma_start3A_380 : memref<1x64xf32, #tpu.memory_space<hbm>> -> memref<64xf32, #tpu.memory_space<hbm>>
          %dma_start3A_382 = tpu.memref_slice %arg13[%rem3A_58] : memref<2x!tpu.dma_semaphore, #tpu.memory_space<semaphore_mem>> -> memref<1x!tpu.dma_semaphore, #tpu.memory_space<semaphore_mem>>
          %dma_start3A_383 = tpu.memref_squeeze %dma_start3A_382 : memref<1x!tpu.dma_semaphore, #tpu.memory_space<semaphore_mem>> -> memref<!tpu.dma_semaphore, #tpu.memory_space<semaphore_mem>>
          %dma_start3A_384 = arith.constant 0 : i32
          %dma_start3A_385 = tpu.memref_slice %arg9[%rem3A_58, %add3A_375, %dma_start3A_384] : memref<2x320x64xf32, #tpu.memory_space<vmem>> -> memref<1x1x64xf32, #tpu.memory_space<vmem>>
          %dma_start3A_386 = tpu.memref_squeeze %dma_start3A_385 : memref<1x1x64xf32, #tpu.memory_space<vmem>> -> memref<64xf32, #tpu.memory_space<vmem>>
          %dma_start3A_387 = arith.constant 0 : i32
          %dma_start3A_388 = tpu.memref_slice %arg3[%squeeze3A_371, %dma_start3A_387] : memref<1000000x64xf32, #tpu.memory_space<hbm>> -> memref<1x64xf32, #tpu.memory_space<hbm>>
          %dma_start3A_389 = tpu.memref_squeeze %dma_start3A_388 : memref<1x64xf32, #tpu.memory_space<hbm>> -> memref<64xf32, #tpu.memory_space<hbm>>
          tpu.enqueue_dma source(%dma_start3A_389 : memref<64xf32, #tpu.memory_space<hbm>>) target(%dma_start3A_386 : memref<64xf32, #tpu.memory_space<vmem>>) target_semaphore(%dma_start3A_383 : memref<!tpu.dma_semaphore, #tpu.memory_space<semaphore_mem>>)
        }
        %scan3A_64 = arith.constant 20 : i32
      } else {
      }
      %scan3A_46 = arith.constant 0 : i32
      %scan3A_47 = arith.constant 0 : i32
      %scan3A_48 = arith.constant 320 : i32
      %scan3A_49 = arith.addi %scan3A_47, %scan3A_48 : i32
      %scan3A_50 = arith.constant 4 : i32
      scf.for %scan3A_55 = %scan3A_47 to %scan3A_49 step %scan3A_50  : i32 {
        %rem3A_56 = arith.constant 20 : i32
        %rem3A_57 = arith.remsi %scan3A_55, %rem3A_56 : i32
        %get3A_58 = arith.index_cast %rem3A_33 : i32 to index
        %get3A_59 = arith.index_cast %scan3A_55 : i32 to index
        %get3A_60 = arith.constant 0 : index
        %get3A_61 = tpu.vector_load %arg9[%get3A_58, %get3A_59, %get3A_60] {strides = array<i32>} : memref<2x320x64xf32, #tpu.memory_space<vmem>>, vector<16xf32>,
        %get3A_62 = arith.index_cast %rem3A_57 : i32 to index
        %get3A_63 = arith.constant 0 : index
        %get3A_64 = tpu.vector_load %arg10[%get3A_62, %get3A_63] {strides = array<i32>} : memref<20x64xf32, #tpu.memory_space<vmem>>, vector<16xf32>,
        %add3A_65 = arith.addf %get3A_61, %get3A_64 : vector<16xf32>
        %get3A_66 = arith.index_cast %rem3A_33 : i32 to index
        %get3A_67 = arith.index_cast %scan3A_55 : i32 to index
        %get3A_68 = arith.constant 16 : index
        %get3A_69 = tpu.vector_load %arg9[%get3A_66, %get3A_67, %get3A_68] {strides = array<i32>} : memref<2x320x64xf32, #tpu.memory_space<vmem>>, vector<16xf32>,
        %get3A_70 = arith.index_cast %rem3A_57 : i32 to index
        %get3A_71 = arith.constant 16 : index
        %get3A_72 = tpu.vector_load %arg10[%get3A_70, %get3A_71] {strides = array<i32>} : memref<20x64xf32, #tpu.memory_space<vmem>>, vector<16xf32>,
        %add3A_73 = arith.addf %get3A_69, %get3A_72 : vector<16xf32>
        %get3A_74 = arith.index_cast %rem3A_33 : i32 to index
        %get3A_75 = arith.index_cast %scan3A_55 : i32 to index
        %get3A_76 = arith.constant 32 : index
        %get3A_77 = tpu.vector_load %arg9[%get3A_74, %get3A_75, %get3A_76] {strides = array<i32>} : memref<2x320x64xf32, #tpu.memory_space<vmem>>, vector<16xf32>,
        %get3A_78 = arith.index_cast %rem3A_57 : i32 to index
        %get3A_79 = arith.constant 32 : index
        %get3A_80 = tpu.vector_load %arg10[%get3A_78, %get3A_79] {strides = array<i32>} : memref<20x64xf32, #tpu.memory_space<vmem>>, vector<16xf32>,
        %add3A_81 = arith.addf %get3A_77, %get3A_80 : vector<16xf32>
        %get3A_82 = arith.index_cast %rem3A_33 : i32 to index
        %get3A_83 = arith.index_cast %scan3A_55 : i32 to index
        %get3A_84 = arith.constant 48 : index
        %get3A_85 = tpu.vector_load %arg9[%get3A_82, %get3A_83, %get3A_84] {strides = array<i32>} : memref<2x320x64xf32, #tpu.memory_space<vmem>>, vector<16xf32>,
        %get3A_86 = arith.index_cast %rem3A_57 : i32 to index
        %get3A_87 = arith.constant 48 : index
        %get3A_88 = tpu.vector_load %arg10[%get3A_86, %get3A_87] {strides = array<i32>} : memref<20x64xf32, #tpu.memory_space<vmem>>, vector<16xf32>,
        %add3A_89 = arith.addf %get3A_85, %get3A_88 : vector<16xf32>
        %add3A_90 = arith.addf %add3A_65, %add3A_73 : vector<16xf32>
        %add3A_91 = arith.addf %add3A_90, %add3A_81 : vector<16xf32>
        %add3A_92 = arith.addf %add3A_91, %add3A_89 : vector<16xf32>
        %reduce_sum3A = arith.constant true
        %reduce_sum3A_93 = vector.broadcast %reduce_sum3A : i1 to vector<16xi1>
        %reduce_sum3A_94 = tpu.scan <sum>, %add3A_92 masked %reduce_sum3A_93 : vector<16xf32>, vector<16xi1> -> vector<16xf32>
        %reduce_sum3A_95 = vector.extract %reduce_sum3A_94[15] : f32 from vector<16xf32>
        %broadcast_in_dim3A = vector.broadcast %reduce_sum3A_95 : f32 to vector<16xf32>
        %mul3A_96 = arith.constant 1.562500e-02 : f32
        %mul3A_97 = vector.broadcast %mul3A_96 : f32 to vector<16xf32>
        %mul3A_98 = arith.mulf %broadcast_in_dim3A, %mul3A_97 : vector<16xf32>
        %sub3A = arith.subf %add3A_65, %mul3A_98 : vector<16xf32>
        %sub3A_99 = arith.subf %add3A_73, %mul3A_98 : vector<16xf32>
        %sub3A_100 = arith.subf %add3A_81, %mul3A_98 : vector<16xf32>
        %sub3A_101 = arith.subf %add3A_89, %mul3A_98 : vector<16xf32>
        %mul3A_102 = arith.mulf %sub3A, %sub3A : vector<16xf32>
        %mul3A_103 = arith.mulf %sub3A_99, %sub3A_99 : vector<16xf32>
        %add3A_104 = arith.addf %mul3A_102, %mul3A_103 : vector<16xf32>
        %mul3A_105 = arith.mulf %sub3A_100, %sub3A_100 : vector<16xf32>
        %add3A_106 = arith.addf %add3A_104, %mul3A_105 : vector<16xf32>
        %mul3A_107 = arith.mulf %sub3A_101, %sub3A_101 : vector<16xf32>
        %add3A_108 = arith.addf %add3A_106, %mul3A_107 : vector<16xf32>
        %reduce_sum3A_109 = arith.constant true
        %reduce_sum3A_110 = vector.broadcast %reduce_sum3A_109 : i1 to vector<16xi1>
        %reduce_sum3A_111 = tpu.scan <sum>, %add3A_108 masked %reduce_sum3A_110 : vector<16xf32>, vector<16xi1> -> vector<16xf32>
        %reduce_sum3A_112 = vector.extract %reduce_sum3A_111[15] : f32 from vector<16xf32>
        %broadcast_in_dim3A_113 = vector.broadcast %reduce_sum3A_112 : f32 to vector<16xf32>
        %mul3A_114 = arith.constant 1.562500e-02 : f32
        %mul3A_115 = vector.broadcast %mul3A_114 : f32 to vector<16xf32>
        %mul3A_116 = arith.mulf %broadcast_in_dim3A_113, %mul3A_115 : vector<16xf32>
        %add3A_117 = arith.constant 9.99999974E-6 : f32
        %add3A_118 = vector.broadcast %add3A_117 : f32 to vector<16xf32>
        %add3A_119 = arith.addf %mul3A_116, %add3A_118 : vector<16xf32>
        %bitcast3A = vector.bitcast %add3A_119 : vector<16xf32> to vector<16xi32>
        %shift_right_logical3A = arith.constant 1 : i32
        %shift_right_logical3A_120 = vector.broadcast %shift_right_logical3A : i32 to vector<16xi32>
        %shift_right_logical3A_121 = arith.shrui %bitcast3A, %shift_right_logical3A_120 : vector<16xi32>
        %sub3A_122 = arith.constant 1597463007 : i32
        %sub3A_123 = vector.broadcast %sub3A_122 : i32 to vector<16xi32>
        %sub3A_124 = arith.subi %sub3A_123, %shift_right_logical3A_121 : vector<16xi32>
        %bitcast3A_125 = vector.bitcast %sub3A_124 : vector<16xi32> to vector<16xf32>
        %mul3A_126 = arith.constant -5.000000e-01 : f32
        %mul3A_127 = vector.broadcast %mul3A_126 : f32 to vector<16xf32>
        %mul3A_128 = arith.mulf %add3A_119, %mul3A_127 : vector<16xf32>
        %mul3A_129 = arith.mulf %mul3A_128, %bitcast3A_125 : vector<16xf32>
        %mul3A_130 = arith.mulf %mul3A_129, %bitcast3A_125 : vector<16xf32>
        %add3A_131 = arith.constant 1.500000e+00 : f32
        %add3A_132 = vector.broadcast %add3A_131 : f32 to vector<16xf32>
        %add3A_133 = arith.addf %mul3A_130, %add3A_132 : vector<16xf32>
        %mul3A_134 = arith.mulf %bitcast3A_125, %add3A_133 : vector<16xf32>
        %mul3A_135 = arith.mulf %mul3A_128, %mul3A_134 : vector<16xf32>
        %mul3A_136 = arith.mulf %mul3A_135, %mul3A_134 : vector<16xf32>
        %add3A_137 = arith.constant 1.500000e+00 : f32
        %add3A_138 = vector.broadcast %add3A_137 : f32 to vector<16xf32>
        %add3A_139 = arith.addf %mul3A_136, %add3A_138 : vector<16xf32>
        %mul3A_140 = arith.mulf %mul3A_134, %add3A_139 : vector<16xf32>
        %mul3A_141 = arith.mulf %mul3A_128, %mul3A_140 : vector<16xf32>
        %mul3A_142 = arith.mulf %mul3A_141, %mul3A_140 : vector<16xf32>
        %add3A_143 = arith.constant 1.500000e+00 : f32
        %add3A_144 = vector.broadcast %add3A_143 : f32 to vector<16xf32>
        %add3A_145 = arith.addf %mul3A_142, %add3A_144 : vector<16xf32>
        %mul3A_146 = arith.mulf %mul3A_140, %add3A_145 : vector<16xf32>
        %mul3A_147 = arith.mulf %mul3A_146, %get3A_3 : vector<16xf32>
        %mul3A_148 = arith.mulf %sub3A, %mul3A_147 : vector<16xf32>
        %add3A_149 = arith.addf %mul3A_148, %get3A_11 : vector<16xf32>
        %swap3A = arith.index_cast %rem3A_33 : i32 to index
        %swap3A_150 = arith.index_cast %scan3A_55 : i32 to index
        %swap3A_151 = arith.constant 0 : index
        %swap3A_152 = tpu.vector_load %arg9[%swap3A, %swap3A_150, %swap3A_151] {strides = array<i32>} : memref<2x320x64xf32, #tpu.memory_space<vmem>>, vector<16xf32>,
        tpu.vector_store %arg9[%swap3A, %swap3A_150, %swap3A_151], %add3A_149 {strides = array<i32>} : memref<2x320x64xf32, #tpu.memory_space<vmem>>, vector<16xf32>,
        %mul3A_153 = arith.mulf %mul3A_146, %get3A_5 : vector<16xf32>
        %mul3A_154 = arith.mulf %sub3A_99, %mul3A_153 : vector<16xf32>
        %add3A_155 = arith.addf %mul3A_154, %get3A_13 : vector<16xf32>
        %swap3A_156 = arith.index_cast %rem3A_33 : i32 to index
        %swap3A_157 = arith.index_cast %scan3A_55 : i32 to index
        %swap3A_158 = arith.constant 16 : index
        %swap3A_159 = tpu.vector_load %arg9[%swap3A_156, %swap3A_157, %swap3A_158] {strides = array<i32>} : memref<2x320x64xf32, #tpu.memory_space<vmem>>, vector<16xf32>,
        tpu.vector_store %arg9[%swap3A_156, %swap3A_157, %swap3A_158], %add3A_155 {strides = array<i32>} : memref<2x320x64xf32, #tpu.memory_space<vmem>>, vector<16xf32>,
        %mul3A_160 = arith.mulf %mul3A_146, %get3A_7 : vector<16xf32>
        %mul3A_161 = arith.mulf %sub3A_100, %mul3A_160 : vector<16xf32>
        %add3A_162 = arith.addf %mul3A_161, %get3A_15 : vector<16xf32>
        %swap3A_163 = arith.index_cast %rem3A_33 : i32 to index
        %swap3A_164 = arith.index_cast %scan3A_55 : i32 to index
        %swap3A_165 = arith.constant 32 : index
        %swap3A_166 = tpu.vector_load %arg9[%swap3A_163, %swap3A_164, %swap3A_165] {strides = array<i32>} : memref<2x320x64xf32, #tpu.memory_space<vmem>>, vector<16xf32>,
        tpu.vector_store %arg9[%swap3A_163, %swap3A_164, %swap3A_165], %add3A_162 {strides = array<i32>} : memref<2x320x64xf32, #tpu.memory_space<vmem>>, vector<16xf32>,
        %mul3A_167 = arith.mulf %mul3A_146, %get3A_9 : vector<16xf32>
        %mul3A_168 = arith.mulf %sub3A_101, %mul3A_167 : vector<16xf32>
        %add3A_169 = arith.addf %mul3A_168, %get3A_17 : vector<16xf32>
        %swap3A_170 = arith.index_cast %rem3A_33 : i32 to index
        %swap3A_171 = arith.index_cast %scan3A_55 : i32 to index
        %swap3A_172 = arith.constant 48 : index
        %swap3A_173 = tpu.vector_load %arg9[%swap3A_170, %swap3A_171, %swap3A_172] {strides = array<i32>} : memref<2x320x64xf32, #tpu.memory_space<vmem>>, vector<16xf32>,
        tpu.vector_store %arg9[%swap3A_170, %swap3A_171, %swap3A_172], %add3A_169 {strides = array<i32>} : memref<2x320x64xf32, #tpu.memory_space<vmem>>, vector<16xf32>,
        %scan3A_174 = arith.constant 1 : i32
        %scan3A_175 = arith.addi %scan3A_55, %scan3A_174 : i32
        %rem3A_176 = arith.constant 20 : i32
        %rem3A_177 = arith.remsi %scan3A_175, %rem3A_176 : i32
        %get3A_178 = arith.index_cast %rem3A_33 : i32 to index
        %get3A_179 = arith.index_cast %scan3A_175 : i32 to index
        %get3A_180 = arith.constant 0 : index
        %get3A_181 = tpu.vector_load %arg9[%get3A_178, %get3A_179, %get3A_180] {strides = array<i32>} : memref<2x320x64xf32, #tpu.memory_space<vmem>>, vector<16xf32>,
        %get3A_182 = arith.index_cast %rem3A_177 : i32 to index
        %get3A_183 = arith.constant 0 : index
        %get3A_184 = tpu.vector_load %arg10[%get3A_182, %get3A_183] {strides = array<i32>} : memref<20x64xf32, #tpu.memory_space<vmem>>, vector<16xf32>,
        %add3A_185 = arith.addf %get3A_181, %get3A_184 : vector<16xf32>
        %get3A_186 = arith.index_cast %rem3A_33 : i32 to index
        %get3A_187 = arith.index_cast %scan3A_175 : i32 to index
        %get3A_188 = arith.constant 16 : index
        %get3A_189 = tpu.vector_load %arg9[%get3A_186, %get3A_187, %get3A_188] {strides = array<i32>} : memref<2x320x64xf32, #tpu.memory_space<vmem>>, vector<16xf32>,
        %get3A_190 = arith.index_cast %rem3A_177 : i32 to index
        %get3A_191 = arith.constant 16 : index
        %get3A_192 = tpu.vector_load %arg10[%get3A_190, %get3A_191] {strides = array<i32>} : memref<20x64xf32, #tpu.memory_space<vmem>>, vector<16xf32>,
        %add3A_193 = arith.addf %get3A_189, %get3A_192 : vector<16xf32>
        %get3A_194 = arith.index_cast %rem3A_33 : i32 to index
        %get3A_195 = arith.index_cast %scan3A_175 : i32 to index
        %get3A_196 = arith.constant 32 : index
        %get3A_197 = tpu.vector_load %arg9[%get3A_194, %get3A_195, %get3A_196] {strides = array<i32>} : memref<2x320x64xf32, #tpu.memory_space<vmem>>, vector<16xf32>,
        %get3A_198 = arith.index_cast %rem3A_177 : i32 to index
        %get3A_199 = arith.constant 32 : index
        %get3A_200 = tpu.vector_load %arg10[%get3A_198, %get3A_199] {strides = array<i32>} : memref<20x64xf32, #tpu.memory_space<vmem>>, vector<16xf32>,
        %add3A_201 = arith.addf %get3A_197, %get3A_200 : vector<16xf32>
        %get3A_202 = arith.index_cast %rem3A_33 : i32 to index
        %get3A_203 = arith.index_cast %scan3A_175 : i32 to index
        %get3A_204 = arith.constant 48 : index
        %get3A_205 = tpu.vector_load %arg9[%get3A_202, %get3A_203, %get3A_204] {strides = array<i32>} : memref<2x320x64xf32, #tpu.memory_space<vmem>>, vector<16xf32>,
        %get3A_206 = arith.index_cast %rem3A_177 : i32 to index
        %get3A_207 = arith.constant 48 : index
        %get3A_208 = tpu.vector_load %arg10[%get3A_206, %get3A_207] {strides = array<i32>} : memref<20x64xf32, #tpu.memory_space<vmem>>, vector<16xf32>,
        %add3A_209 = arith.addf %get3A_205, %get3A_208 : vector<16xf32>
        %add3A_210 = arith.addf %add3A_185, %add3A_193 : vector<16xf32>
        %add3A_211 = arith.addf %add3A_210, %add3A_201 : vector<16xf32>
        %add3A_212 = arith.addf %add3A_211, %add3A_209 : vector<16xf32>
        %reduce_sum3A_213 = arith.constant true
        %reduce_sum3A_214 = vector.broadcast %reduce_sum3A_213 : i1 to vector<16xi1>
        %reduce_sum3A_215 = tpu.scan <sum>, %add3A_212 masked %reduce_sum3A_214 : vector<16xf32>, vector<16xi1> -> vector<16xf32>
        %reduce_sum3A_216 = vector.extract %reduce_sum3A_215[15] : f32 from vector<16xf32>
        %broadcast_in_dim3A_217 = vector.broadcast %reduce_sum3A_216 : f32 to vector<16xf32>
        %mul3A_218 = arith.constant 1.562500e-02 : f32
        %mul3A_219 = vector.broadcast %mul3A_218 : f32 to vector<16xf32>
        %mul3A_220 = arith.mulf %broadcast_in_dim3A_217, %mul3A_219 : vector<16xf32>
        %sub3A_221 = arith.subf %add3A_185, %mul3A_220 : vector<16xf32>
        %sub3A_222 = arith.subf %add3A_193, %mul3A_220 : vector<16xf32>
        %sub3A_223 = arith.subf %add3A_201, %mul3A_220 : vector<16xf32>
        %sub3A_224 = arith.subf %add3A_209, %mul3A_220 : vector<16xf32>
        %mul3A_225 = arith.mulf %sub3A_221, %sub3A_221 : vector<16xf32>
        %mul3A_226 = arith.mulf %sub3A_222, %sub3A_222 : vector<16xf32>
        %add3A_227 = arith.addf %mul3A_225, %mul3A_226 : vector<16xf32>
        %mul3A_228 = arith.mulf %sub3A_223, %sub3A_223 : vector<16xf32>
        %add3A_229 = arith.addf %add3A_227, %mul3A_228 : vector<16xf32>
        %mul3A_230 = arith.mulf %sub3A_224, %sub3A_224 : vector<16xf32>
        %add3A_231 = arith.addf %add3A_229, %mul3A_230 : vector<16xf32>
        %reduce_sum3A_232 = arith.constant true
        %reduce_sum3A_233 = vector.broadcast %reduce_sum3A_232 : i1 to vector<16xi1>
        %reduce_sum3A_234 = tpu.scan <sum>, %add3A_231 masked %reduce_sum3A_233 : vector<16xf32>, vector<16xi1> -> vector<16xf32>
        %reduce_sum3A_235 = vector.extract %reduce_sum3A_234[15] : f32 from vector<16xf32>
        %broadcast_in_dim3A_236 = vector.broadcast %reduce_sum3A_235 : f32 to vector<16xf32>
        %mul3A_237 = arith.constant 1.562500e-02 : f32
        %mul3A_238 = vector.broadcast %mul3A_237 : f32 to vector<16xf32>
        %mul3A_239 = arith.mulf %broadcast_in_dim3A_236, %mul3A_238 : vector<16xf32>
        %add3A_240 = arith.constant 9.99999974E-6 : f32
        %add3A_241 = vector.broadcast %add3A_240 : f32 to vector<16xf32>
        %add3A_242 = arith.addf %mul3A_239, %add3A_241 : vector<16xf32>
        %bitcast3A_243 = vector.bitcast %add3A_242 : vector<16xf32> to vector<16xi32>
        %shift_right_logical3A_244 = arith.constant 1 : i32
        %shift_right_logical3A_245 = vector.broadcast %shift_right_logical3A_244 : i32 to vector<16xi32>
        %shift_right_logical3A_246 = arith.shrui %bitcast3A_243, %shift_right_logical3A_245 : vector<16xi32>
        %sub3A_247 = arith.constant 1597463007 : i32
        %sub3A_248 = vector.broadcast %sub3A_247 : i32 to vector<16xi32>
        %sub3A_249 = arith.subi %sub3A_248, %shift_right_logical3A_246 : vector<16xi32>
        %bitcast3A_250 = vector.bitcast %sub3A_249 : vector<16xi32> to vector<16xf32>
        %mul3A_251 = arith.constant -5.000000e-01 : f32
        %mul3A_252 = vector.broadcast %mul3A_251 : f32 to vector<16xf32>
        %mul3A_253 = arith.mulf %add3A_242, %mul3A_252 : vector<16xf32>
        %mul3A_254 = arith.mulf %mul3A_253, %bitcast3A_250 : vector<16xf32>
        %mul3A_255 = arith.mulf %mul3A_254, %bitcast3A_250 : vector<16xf32>
        %add3A_256 = arith.constant 1.500000e+00 : f32
        %add3A_257 = vector.broadcast %add3A_256 : f32 to vector<16xf32>
        %add3A_258 = arith.addf %mul3A_255, %add3A_257 : vector<16xf32>
        %mul3A_259 = arith.mulf %bitcast3A_250, %add3A_258 : vector<16xf32>
        %mul3A_260 = arith.mulf %mul3A_253, %mul3A_259 : vector<16xf32>
        %mul3A_261 = arith.mulf %mul3A_260, %mul3A_259 : vector<16xf32>
        %add3A_262 = arith.constant 1.500000e+00 : f32
        %add3A_263 = vector.broadcast %add3A_262 : f32 to vector<16xf32>
        %add3A_264 = arith.addf %mul3A_261, %add3A_263 : vector<16xf32>
        %mul3A_265 = arith.mulf %mul3A_259, %add3A_264 : vector<16xf32>
        %mul3A_266 = arith.mulf %mul3A_253, %mul3A_265 : vector<16xf32>
        %mul3A_267 = arith.mulf %mul3A_266, %mul3A_265 : vector<16xf32>
        %add3A_268 = arith.constant 1.500000e+00 : f32
        %add3A_269 = vector.broadcast %add3A_268 : f32 to vector<16xf32>
        %add3A_270 = arith.addf %mul3A_267, %add3A_269 : vector<16xf32>
        %mul3A_271 = arith.mulf %mul3A_265, %add3A_270 : vector<16xf32>
        %mul3A_272 = arith.mulf %mul3A_271, %get3A_3 : vector<16xf32>
        %mul3A_273 = arith.mulf %sub3A_221, %mul3A_272 : vector<16xf32>
        %add3A_274 = arith.addf %mul3A_273, %get3A_11 : vector<16xf32>
        %swap3A_275 = arith.index_cast %rem3A_33 : i32 to index
        %swap3A_276 = arith.index_cast %scan3A_175 : i32 to index
        %swap3A_277 = arith.constant 0 : index
        %swap3A_278 = tpu.vector_load %arg9[%swap3A_275, %swap3A_276, %swap3A_277] {strides = array<i32>} : memref<2x320x64xf32, #tpu.memory_space<vmem>>, vector<16xf32>,
        tpu.vector_store %arg9[%swap3A_275, %swap3A_276, %swap3A_277], %add3A_274 {strides = array<i32>} : memref<2x320x64xf32, #tpu.memory_space<vmem>>, vector<16xf32>,
        %mul3A_279 = arith.mulf %mul3A_271, %get3A_5 : vector<16xf32>
        %mul3A_280 = arith.mulf %sub3A_222, %mul3A_279 : vector<16xf32>
        %add3A_281 = arith.addf %mul3A_280, %get3A_13 : vector<16xf32>
        %swap3A_282 = arith.index_cast %rem3A_33 : i32 to index
        %swap3A_283 = arith.index_cast %scan3A_175 : i32 to index
        %swap3A_284 = arith.constant 16 : index
        %swap3A_285 = tpu.vector_load %arg9[%swap3A_282, %swap3A_283, %swap3A_284] {strides = array<i32>} : memref<2x320x64xf32, #tpu.memory_space<vmem>>, vector<16xf32>,
        tpu.vector_store %arg9[%swap3A_282, %swap3A_283, %swap3A_284], %add3A_281 {strides = array<i32>} : memref<2x320x64xf32, #tpu.memory_space<vmem>>, vector<16xf32>,
        %mul3A_286 = arith.mulf %mul3A_271, %get3A_7 : vector<16xf32>
        %mul3A_287 = arith.mulf %sub3A_223, %mul3A_286 : vector<16xf32>
        %add3A_288 = arith.addf %mul3A_287, %get3A_15 : vector<16xf32>
        %swap3A_289 = arith.index_cast %rem3A_33 : i32 to index
        %swap3A_290 = arith.index_cast %scan3A_175 : i32 to index
        %swap3A_291 = arith.constant 32 : index
        %swap3A_292 = tpu.vector_load %arg9[%swap3A_289, %swap3A_290, %swap3A_291] {strides = array<i32>} : memref<2x320x64xf32, #tpu.memory_space<vmem>>, vector<16xf32>,
        tpu.vector_store %arg9[%swap3A_289, %swap3A_290, %swap3A_291], %add3A_288 {strides = array<i32>} : memref<2x320x64xf32, #tpu.memory_space<vmem>>, vector<16xf32>,
        %mul3A_293 = arith.mulf %mul3A_271, %get3A_9 : vector<16xf32>
        %mul3A_294 = arith.mulf %sub3A_224, %mul3A_293 : vector<16xf32>
        %add3A_295 = arith.addf %mul3A_294, %get3A_17 : vector<16xf32>
        %swap3A_296 = arith.index_cast %rem3A_33 : i32 to index
        %swap3A_297 = arith.index_cast %scan3A_175 : i32 to index
        %swap3A_298 = arith.constant 48 : index
        %swap3A_299 = tpu.vector_load %arg9[%swap3A_296, %swap3A_297, %swap3A_298] {strides = array<i32>} : memref<2x320x64xf32, #tpu.memory_space<vmem>>, vector<16xf32>,
        tpu.vector_store %arg9[%swap3A_296, %swap3A_297, %swap3A_298], %add3A_295 {strides = array<i32>} : memref<2x320x64xf32, #tpu.memory_space<vmem>>, vector<16xf32>,
        %scan3A_300 = arith.constant 2 : i32
        %scan3A_301 = arith.addi %scan3A_55, %scan3A_300 : i32
        %rem3A_302 = arith.constant 20 : i32
        %rem3A_303 = arith.remsi %scan3A_301, %rem3A_302 : i32
        %get3A_304 = arith.index_cast %rem3A_33 : i32 to index
        %get3A_305 = arith.index_cast %scan3A_301 : i32 to index
        %get3A_306 = arith.constant 0 : index
        %get3A_307 = tpu.vector_load %arg9[%get3A_304, %get3A_305, %get3A_306] {strides = array<i32>} : memref<2x320x64xf32, #tpu.memory_space<vmem>>, vector<16xf32>,
        %get3A_308 = arith.index_cast %rem3A_303 : i32 to index
        %get3A_309 = arith.constant 0 : index
        %get3A_310 = tpu.vector_load %arg10[%get3A_308, %get3A_309] {strides = array<i32>} : memref<20x64xf32, #tpu.memory_space<vmem>>, vector<16xf32>,
        %add3A_311 = arith.addf %get3A_307, %get3A_310 : vector<16xf32>
        %get3A_312 = arith.index_cast %rem3A_33 : i32 to index
        %get3A_313 = arith.index_cast %scan3A_301 : i32 to index
        %get3A_314 = arith.constant 16 : index
        %get3A_315 = tpu.vector_load %arg9[%get3A_312, %get3A_313, %get3A_314] {strides = array<i32>} : memref<2x320x64xf32, #tpu.memory_space<vmem>>, vector<16xf32>,
        %get3A_316 = arith.index_cast %rem3A_303 : i32 to index
        %get3A_317 = arith.constant 16 : index
        %get3A_318 = tpu.vector_load %arg10[%get3A_316, %get3A_317] {strides = array<i32>} : memref<20x64xf32, #tpu.memory_space<vmem>>, vector<16xf32>,
        %add3A_319 = arith.addf %get3A_315, %get3A_318 : vector<16xf32>
        %get3A_320 = arith.index_cast %rem3A_33 : i32 to index
        %get3A_321 = arith.index_cast %scan3A_301 : i32 to index
        %get3A_322 = arith.constant 32 : index
        %get3A_323 = tpu.vector_load %arg9[%get3A_320, %get3A_321, %get3A_322] {strides = array<i32>} : memref<2x320x64xf32, #tpu.memory_space<vmem>>, vector<16xf32>,
        %get3A_324 = arith.index_cast %rem3A_303 : i32 to index
        %get3A_325 = arith.constant 32 : index
        %get3A_326 = tpu.vector_load %arg10[%get3A_324, %get3A_325] {strides = array<i32>} : memref<20x64xf32, #tpu.memory_space<vmem>>, vector<16xf32>,
        %add3A_327 = arith.addf %get3A_323, %get3A_326 : vector<16xf32>
        %get3A_328 = arith.index_cast %rem3A_33 : i32 to index
        %get3A_329 = arith.index_cast %scan3A_301 : i32 to index
        %get3A_330 = arith.constant 48 : index
        %get3A_331 = tpu.vector_load %arg9[%get3A_328, %get3A_329, %get3A_330] {strides = array<i32>} : memref<2x320x64xf32, #tpu.memory_space<vmem>>, vector<16xf32>,
        %get3A_332 = arith.index_cast %rem3A_303 : i32 to index
        %get3A_333 = arith.constant 48 : index
        %get3A_334 = tpu.vector_load %arg10[%get3A_332, %get3A_333] {strides = array<i32>} : memref<20x64xf32, #tpu.memory_space<vmem>>, vector<16xf32>,
        %add3A_335 = arith.addf %get3A_331, %get3A_334 : vector<16xf32>
        %add3A_336 = arith.addf %add3A_311, %add3A_319 : vector<16xf32>
        %add3A_337 = arith.addf %add3A_336, %add3A_327 : vector<16xf32>
        %add3A_338 = arith.addf %add3A_337, %add3A_335 : vector<16xf32>
        %reduce_sum3A_339 = arith.constant true
        %reduce_sum3A_340 = vector.broadcast %reduce_sum3A_339 : i1 to vector<16xi1>
        %reduce_sum3A_341 = tpu.scan <sum>, %add3A_338 masked %reduce_sum3A_340 : vector<16xf32>, vector<16xi1> -> vector<16xf32>
        %reduce_sum3A_342 = vector.extract %reduce_sum3A_341[15] : f32 from vector<16xf32>
        %broadcast_in_dim3A_343 = vector.broadcast %reduce_sum3A_342 : f32 to vector<16xf32>
        %mul3A_344 = arith.constant 1.562500e-02 : f32
        %mul3A_345 = vector.broadcast %mul3A_344 : f32 to vector<16xf32>
        %mul3A_346 = arith.mulf %broadcast_in_dim3A_343, %mul3A_345 : vector<16xf32>
        %sub3A_347 = arith.subf %add3A_311, %mul3A_346 : vector<16xf32>
        %sub3A_348 = arith.subf %add3A_319, %mul3A_346 : vector<16xf32>
        %sub3A_349 = arith.subf %add3A_327, %mul3A_346 : vector<16xf32>
        %sub3A_350 = arith.subf %add3A_335, %mul3A_346 : vector<16xf32>
        %mul3A_351 = arith.mulf %sub3A_347, %sub3A_347 : vector<16xf32>
        %mul3A_352 = arith.mulf %sub3A_348, %sub3A_348 : vector<16xf32>
        %add3A_353 = arith.addf %mul3A_351, %mul3A_352 : vector<16xf32>
        %mul3A_354 = arith.mulf %sub3A_349, %sub3A_349 : vector<16xf32>
        %add3A_355 = arith.addf %add3A_353, %mul3A_354 : vector<16xf32>
        %mul3A_356 = arith.mulf %sub3A_350, %sub3A_350 : vector<16xf32>
        %add3A_357 = arith.addf %add3A_355, %mul3A_356 : vector<16xf32>
        %reduce_sum3A_358 = arith.constant true
        %reduce_sum3A_359 = vector.broadcast %reduce_sum3A_358 : i1 to vector<16xi1>
        %reduce_sum3A_360 = tpu.scan <sum>, %add3A_357 masked %reduce_sum3A_359 : vector<16xf32>, vector<16xi1> -> vector<16xf32>
        %reduce_sum3A_361 = vector.extract %reduce_sum3A_360[15] : f32 from vector<16xf32>
        %broadcast_in_dim3A_362 = vector.broadcast %reduce_sum3A_361 : f32 to vector<16xf32>
        %mul3A_363 = arith.constant 1.562500e-02 : f32
        %mul3A_364 = vector.broadcast %mul3A_363 : f32 to vector<16xf32>
        %mul3A_365 = arith.mulf %broadcast_in_dim3A_362, %mul3A_364 : vector<16xf32>
        %add3A_366 = arith.constant 9.99999974E-6 : f32
        %add3A_367 = vector.broadcast %add3A_366 : f32 to vector<16xf32>
        %add3A_368 = arith.addf %mul3A_365, %add3A_367 : vector<16xf32>
        %bitcast3A_369 = vector.bitcast %add3A_368 : vector<16xf32> to vector<16xi32>
        %shift_right_logical3A_370 = arith.constant 1 : i32
        %shift_right_logical3A_371 = vector.broadcast %shift_right_logical3A_370 : i32 to vector<16xi32>
        %shift_right_logical3A_372 = arith.shrui %bitcast3A_369, %shift_right_logical3A_371 : vector<16xi32>
        %sub3A_373 = arith.constant 1597463007 : i32
        %sub3A_374 = vector.broadcast %sub3A_373 : i32 to vector<16xi32>
        %sub3A_375 = arith.subi %sub3A_374, %shift_right_logical3A_372 : vector<16xi32>
        %bitcast3A_376 = vector.bitcast %sub3A_375 : vector<16xi32> to vector<16xf32>
        %mul3A_377 = arith.constant -5.000000e-01 : f32
        %mul3A_378 = vector.broadcast %mul3A_377 : f32 to vector<16xf32>
        %mul3A_379 = arith.mulf %add3A_368, %mul3A_378 : vector<16xf32>
        %mul3A_380 = arith.mulf %mul3A_379, %bitcast3A_376 : vector<16xf32>
        %mul3A_381 = arith.mulf %mul3A_380, %bitcast3A_376 : vector<16xf32>
        %add3A_382 = arith.constant 1.500000e+00 : f32
        %add3A_383 = vector.broadcast %add3A_382 : f32 to vector<16xf32>
        %add3A_384 = arith.addf %mul3A_381, %add3A_383 : vector<16xf32>
        %mul3A_385 = arith.mulf %bitcast3A_376, %add3A_384 : vector<16xf32>
        %mul3A_386 = arith.mulf %mul3A_379, %mul3A_385 : vector<16xf32>
        %mul3A_387 = arith.mulf %mul3A_386, %mul3A_385 : vector<16xf32>
        %add3A_388 = arith.constant 1.500000e+00 : f32
        %add3A_389 = vector.broadcast %add3A_388 : f32 to vector<16xf32>
        %add3A_390 = arith.addf %mul3A_387, %add3A_389 : vector<16xf32>
        %mul3A_391 = arith.mulf %mul3A_385, %add3A_390 : vector<16xf32>
        %mul3A_392 = arith.mulf %mul3A_379, %mul3A_391 : vector<16xf32>
        %mul3A_393 = arith.mulf %mul3A_392, %mul3A_391 : vector<16xf32>
        %add3A_394 = arith.constant 1.500000e+00 : f32
        %add3A_395 = vector.broadcast %add3A_394 : f32 to vector<16xf32>
        %add3A_396 = arith.addf %mul3A_393, %add3A_395 : vector<16xf32>
        %mul3A_397 = arith.mulf %mul3A_391, %add3A_396 : vector<16xf32>
        %mul3A_398 = arith.mulf %mul3A_397, %get3A_3 : vector<16xf32>
        %mul3A_399 = arith.mulf %sub3A_347, %mul3A_398 : vector<16xf32>
        %add3A_400 = arith.addf %mul3A_399, %get3A_11 : vector<16xf32>
        %swap3A_401 = arith.index_cast %rem3A_33 : i32 to index
        %swap3A_402 = arith.index_cast %scan3A_301 : i32 to index
        %swap3A_403 = arith.constant 0 : index
        %swap3A_404 = tpu.vector_load %arg9[%swap3A_401, %swap3A_402, %swap3A_403] {strides = array<i32>} : memref<2x320x64xf32, #tpu.memory_space<vmem>>, vector<16xf32>,
        tpu.vector_store %arg9[%swap3A_401, %swap3A_402, %swap3A_403], %add3A_400 {strides = array<i32>} : memref<2x320x64xf32, #tpu.memory_space<vmem>>, vector<16xf32>,
        %mul3A_405 = arith.mulf %mul3A_397, %get3A_5 : vector<16xf32>
        %mul3A_406 = arith.mulf %sub3A_348, %mul3A_405 : vector<16xf32>
        %add3A_407 = arith.addf %mul3A_406, %get3A_13 : vector<16xf32>
        %swap3A_408 = arith.index_cast %rem3A_33 : i32 to index
        %swap3A_409 = arith.index_cast %scan3A_301 : i32 to index
        %swap3A_410 = arith.constant 16 : index
        %swap3A_411 = tpu.vector_load %arg9[%swap3A_408, %swap3A_409, %swap3A_410] {strides = array<i32>} : memref<2x320x64xf32, #tpu.memory_space<vmem>>, vector<16xf32>,
        tpu.vector_store %arg9[%swap3A_408, %swap3A_409, %swap3A_410], %add3A_407 {strides = array<i32>} : memref<2x320x64xf32, #tpu.memory_space<vmem>>, vector<16xf32>,
        %mul3A_412 = arith.mulf %mul3A_397, %get3A_7 : vector<16xf32>
        %mul3A_413 = arith.mulf %sub3A_349, %mul3A_412 : vector<16xf32>
        %add3A_414 = arith.addf %mul3A_413, %get3A_15 : vector<16xf32>
        %swap3A_415 = arith.index_cast %rem3A_33 : i32 to index
        %swap3A_416 = arith.index_cast %scan3A_301 : i32 to index
        %swap3A_417 = arith.constant 32 : index
        %swap3A_418 = tpu.vector_load %arg9[%swap3A_415, %swap3A_416, %swap3A_417] {strides = array<i32>} : memref<2x320x64xf32, #tpu.memory_space<vmem>>, vector<16xf32>,
        tpu.vector_store %arg9[%swap3A_415, %swap3A_416, %swap3A_417], %add3A_414 {strides = array<i32>} : memref<2x320x64xf32, #tpu.memory_space<vmem>>, vector<16xf32>,
        %mul3A_419 = arith.mulf %mul3A_397, %get3A_9 : vector<16xf32>
        %mul3A_420 = arith.mulf %sub3A_350, %mul3A_419 : vector<16xf32>
        %add3A_421 = arith.addf %mul3A_420, %get3A_17 : vector<16xf32>
        %swap3A_422 = arith.index_cast %rem3A_33 : i32 to index
        %swap3A_423 = arith.index_cast %scan3A_301 : i32 to index
        %swap3A_424 = arith.constant 48 : index
        %swap3A_425 = tpu.vector_load %arg9[%swap3A_422, %swap3A_423, %swap3A_424] {strides = array<i32>} : memref<2x320x64xf32, #tpu.memory_space<vmem>>, vector<16xf32>,
        tpu.vector_store %arg9[%swap3A_422, %swap3A_423, %swap3A_424], %add3A_421 {strides = array<i32>} : memref<2x320x64xf32, #tpu.memory_space<vmem>>, vector<16xf32>,
        %scan3A_426 = arith.constant 3 : i32
        %scan3A_427 = arith.addi %scan3A_55, %scan3A_426 : i32
        %rem3A_428 = arith.constant 20 : i32
        %rem3A_429 = arith.remsi %scan3A_427, %rem3A_428 : i32
        %get3A_430 = arith.index_cast %rem3A_33 : i32 to index
        %get3A_431 = arith.index_cast %scan3A_427 : i32 to index
        %get3A_432 = arith.constant 0 : index
        %get3A_433 = tpu.vector_load %arg9[%get3A_430, %get3A_431, %get3A_432] {strides = array<i32>} : memref<2x320x64xf32, #tpu.memory_space<vmem>>, vector<16xf32>,
        %get3A_434 = arith.index_cast %rem3A_429 : i32 to index
        %get3A_435 = arith.constant 0 : index
        %get3A_436 = tpu.vector_load %arg10[%get3A_434, %get3A_435] {strides = array<i32>} : memref<20x64xf32, #tpu.memory_space<vmem>>, vector<16xf32>,
        %add3A_437 = arith.addf %get3A_433, %get3A_436 : vector<16xf32>
        %get3A_438 = arith.index_cast %rem3A_33 : i32 to index
        %get3A_439 = arith.index_cast %scan3A_427 : i32 to index
        %get3A_440 = arith.constant 16 : index
        %get3A_441 = tpu.vector_load %arg9[%get3A_438, %get3A_439, %get3A_440] {strides = array<i32>} : memref<2x320x64xf32, #tpu.memory_space<vmem>>, vector<16xf32>,
        %get3A_442 = arith.index_cast %rem3A_429 : i32 to index
        %get3A_443 = arith.constant 16 : index
        %get3A_444 = tpu.vector_load %arg10[%get3A_442, %get3A_443] {strides = array<i32>} : memref<20x64xf32, #tpu.memory_space<vmem>>, vector<16xf32>,
        %add3A_445 = arith.addf %get3A_441, %get3A_444 : vector<16xf32>
        %get3A_446 = arith.index_cast %rem3A_33 : i32 to index
        %get3A_447 = arith.index_cast %scan3A_427 : i32 to index
        %get3A_448 = arith.constant 32 : index
        %get3A_449 = tpu.vector_load %arg9[%get3A_446, %get3A_447, %get3A_448] {strides = array<i32>} : memref<2x320x64xf32, #tpu.memory_space<vmem>>, vector<16xf32>,
        %get3A_450 = arith.index_cast %rem3A_429 : i32 to index
        %get3A_451 = arith.constant 32 : index
        %get3A_452 = tpu.vector_load %arg10[%get3A_450, %get3A_451] {strides = array<i32>} : memref<20x64xf32, #tpu.memory_space<vmem>>, vector<16xf32>,
        %add3A_453 = arith.addf %get3A_449, %get3A_452 : vector<16xf32>
        %get3A_454 = arith.index_cast %rem3A_33 : i32 to index
        %get3A_455 = arith.index_cast %scan3A_427 : i32 to index
        %get3A_456 = arith.constant 48 : index
        %get3A_457 = tpu.vector_load %arg9[%get3A_454, %get3A_455, %get3A_456] {strides = array<i32>} : memref<2x320x64xf32, #tpu.memory_space<vmem>>, vector<16xf32>,
        %get3A_458 = arith.index_cast %rem3A_429 : i32 to index
        %get3A_459 = arith.constant 48 : index
        %get3A_460 = tpu.vector_load %arg10[%get3A_458, %get3A_459] {strides = array<i32>} : memref<20x64xf32, #tpu.memory_space<vmem>>, vector<16xf32>,
        %add3A_461 = arith.addf %get3A_457, %get3A_460 : vector<16xf32>
        %add3A_462 = arith.addf %add3A_437, %add3A_445 : vector<16xf32>
        %add3A_463 = arith.addf %add3A_462, %add3A_453 : vector<16xf32>
        %add3A_464 = arith.addf %add3A_463, %add3A_461 : vector<16xf32>
        %reduce_sum3A_465 = arith.constant true
        %reduce_sum3A_466 = vector.broadcast %reduce_sum3A_465 : i1 to vector<16xi1>
        %reduce_sum3A_467 = tpu.scan <sum>, %add3A_464 masked %reduce_sum3A_466 : vector<16xf32>, vector<16xi1> -> vector<16xf32>
        %reduce_sum3A_468 = vector.extract %reduce_sum3A_467[15] : f32 from vector<16xf32>
        %broadcast_in_dim3A_469 = vector.broadcast %reduce_sum3A_468 : f32 to vector<16xf32>
        %mul3A_470 = arith.constant 1.562500e-02 : f32
        %mul3A_471 = vector.broadcast %mul3A_470 : f32 to vector<16xf32>
        %mul3A_472 = arith.mulf %broadcast_in_dim3A_469, %mul3A_471 : vector<16xf32>
        %sub3A_473 = arith.subf %add3A_437, %mul3A_472 : vector<16xf32>
        %sub3A_474 = arith.subf %add3A_445, %mul3A_472 : vector<16xf32>
        %sub3A_475 = arith.subf %add3A_453, %mul3A_472 : vector<16xf32>
        %sub3A_476 = arith.subf %add3A_461, %mul3A_472 : vector<16xf32>
        %mul3A_477 = arith.mulf %sub3A_473, %sub3A_473 : vector<16xf32>
        %mul3A_478 = arith.mulf %sub3A_474, %sub3A_474 : vector<16xf32>
        %add3A_479 = arith.addf %mul3A_477, %mul3A_478 : vector<16xf32>
        %mul3A_480 = arith.mulf %sub3A_475, %sub3A_475 : vector<16xf32>
        %add3A_481 = arith.addf %add3A_479, %mul3A_480 : vector<16xf32>
        %mul3A_482 = arith.mulf %sub3A_476, %sub3A_476 : vector<16xf32>
        %add3A_483 = arith.addf %add3A_481, %mul3A_482 : vector<16xf32>
        %reduce_sum3A_484 = arith.constant true
        %reduce_sum3A_485 = vector.broadcast %reduce_sum3A_484 : i1 to vector<16xi1>
        %reduce_sum3A_486 = tpu.scan <sum>, %add3A_483 masked %reduce_sum3A_485 : vector<16xf32>, vector<16xi1> -> vector<16xf32>
        %reduce_sum3A_487 = vector.extract %reduce_sum3A_486[15] : f32 from vector<16xf32>
        %broadcast_in_dim3A_488 = vector.broadcast %reduce_sum3A_487 : f32 to vector<16xf32>
        %mul3A_489 = arith.constant 1.562500e-02 : f32
        %mul3A_490 = vector.broadcast %mul3A_489 : f32 to vector<16xf32>
        %mul3A_491 = arith.mulf %broadcast_in_dim3A_488, %mul3A_490 : vector<16xf32>
        %add3A_492 = arith.constant 9.99999974E-6 : f32
        %add3A_493 = vector.broadcast %add3A_492 : f32 to vector<16xf32>
        %add3A_494 = arith.addf %mul3A_491, %add3A_493 : vector<16xf32>
        %bitcast3A_495 = vector.bitcast %add3A_494 : vector<16xf32> to vector<16xi32>
        %shift_right_logical3A_496 = arith.constant 1 : i32
        %shift_right_logical3A_497 = vector.broadcast %shift_right_logical3A_496 : i32 to vector<16xi32>
        %shift_right_logical3A_498 = arith.shrui %bitcast3A_495, %shift_right_logical3A_497 : vector<16xi32>
        %sub3A_499 = arith.constant 1597463007 : i32
        %sub3A_500 = vector.broadcast %sub3A_499 : i32 to vector<16xi32>
        %sub3A_501 = arith.subi %sub3A_500, %shift_right_logical3A_498 : vector<16xi32>
        %bitcast3A_502 = vector.bitcast %sub3A_501 : vector<16xi32> to vector<16xf32>
        %mul3A_503 = arith.constant -5.000000e-01 : f32
        %mul3A_504 = vector.broadcast %mul3A_503 : f32 to vector<16xf32>
        %mul3A_505 = arith.mulf %add3A_494, %mul3A_504 : vector<16xf32>
        %mul3A_506 = arith.mulf %mul3A_505, %bitcast3A_502 : vector<16xf32>
        %mul3A_507 = arith.mulf %mul3A_506, %bitcast3A_502 : vector<16xf32>
        %add3A_508 = arith.constant 1.500000e+00 : f32
        %add3A_509 = vector.broadcast %add3A_508 : f32 to vector<16xf32>
        %add3A_510 = arith.addf %mul3A_507, %add3A_509 : vector<16xf32>
        %mul3A_511 = arith.mulf %bitcast3A_502, %add3A_510 : vector<16xf32>
        %mul3A_512 = arith.mulf %mul3A_505, %mul3A_511 : vector<16xf32>
        %mul3A_513 = arith.mulf %mul3A_512, %mul3A_511 : vector<16xf32>
        %add3A_514 = arith.constant 1.500000e+00 : f32
        %add3A_515 = vector.broadcast %add3A_514 : f32 to vector<16xf32>
        %add3A_516 = arith.addf %mul3A_513, %add3A_515 : vector<16xf32>
        %mul3A_517 = arith.mulf %mul3A_511, %add3A_516 : vector<16xf32>
        %mul3A_518 = arith.mulf %mul3A_505, %mul3A_517 : vector<16xf32>
        %mul3A_519 = arith.mulf %mul3A_518, %mul3A_517 : vector<16xf32>
        %add3A_520 = arith.constant 1.500000e+00 : f32
        %add3A_521 = vector.broadcast %add3A_520 : f32 to vector<16xf32>
        %add3A_522 = arith.addf %mul3A_519, %add3A_521 : vector<16xf32>
        %mul3A_523 = arith.mulf %mul3A_517, %add3A_522 : vector<16xf32>
        %mul3A_524 = arith.mulf %mul3A_523, %get3A_3 : vector<16xf32>
        %mul3A_525 = arith.mulf %sub3A_473, %mul3A_524 : vector<16xf32>
        %add3A_526 = arith.addf %mul3A_525, %get3A_11 : vector<16xf32>
        %swap3A_527 = arith.index_cast %rem3A_33 : i32 to index
        %swap3A_528 = arith.index_cast %scan3A_427 : i32 to index
        %swap3A_529 = arith.constant 0 : index
        %swap3A_530 = tpu.vector_load %arg9[%swap3A_527, %swap3A_528, %swap3A_529] {strides = array<i32>} : memref<2x320x64xf32, #tpu.memory_space<vmem>>, vector<16xf32>,
        tpu.vector_store %arg9[%swap3A_527, %swap3A_528, %swap3A_529], %add3A_526 {strides = array<i32>} : memref<2x320x64xf32, #tpu.memory_space<vmem>>, vector<16xf32>,
        %mul3A_531 = arith.mulf %mul3A_523, %get3A_5 : vector<16xf32>
        %mul3A_532 = arith.mulf %sub3A_474, %mul3A_531 : vector<16xf32>
        %add3A_533 = arith.addf %mul3A_532, %get3A_13 : vector<16xf32>
        %swap3A_534 = arith.index_cast %rem3A_33 : i32 to index
        %swap3A_535 = arith.index_cast %scan3A_427 : i32 to index
        %swap3A_536 = arith.constant 16 : index
        %swap3A_537 = tpu.vector_load %arg9[%swap3A_534, %swap3A_535, %swap3A_536] {strides = array<i32>} : memref<2x320x64xf32, #tpu.memory_space<vmem>>, vector<16xf32>,
        tpu.vector_store %arg9[%swap3A_534, %swap3A_535, %swap3A_536], %add3A_533 {strides = array<i32>} : memref<2x320x64xf32, #tpu.memory_space<vmem>>, vector<16xf32>,
        %mul3A_538 = arith.mulf %mul3A_523, %get3A_7 : vector<16xf32>
        %mul3A_539 = arith.mulf %sub3A_475, %mul3A_538 : vector<16xf32>
        %add3A_540 = arith.addf %mul3A_539, %get3A_15 : vector<16xf32>
        %swap3A_541 = arith.index_cast %rem3A_33 : i32 to index
        %swap3A_542 = arith.index_cast %scan3A_427 : i32 to index
        %swap3A_543 = arith.constant 32 : index
        %swap3A_544 = tpu.vector_load %arg9[%swap3A_541, %swap3A_542, %swap3A_543] {strides = array<i32>} : memref<2x320x64xf32, #tpu.memory_space<vmem>>, vector<16xf32>,
        tpu.vector_store %arg9[%swap3A_541, %swap3A_542, %swap3A_543], %add3A_540 {strides = array<i32>} : memref<2x320x64xf32, #tpu.memory_space<vmem>>, vector<16xf32>,
        %mul3A_545 = arith.mulf %mul3A_523, %get3A_9 : vector<16xf32>
        %mul3A_546 = arith.mulf %sub3A_476, %mul3A_545 : vector<16xf32>
        %add3A_547 = arith.addf %mul3A_546, %get3A_17 : vector<16xf32>
        %swap3A_548 = arith.index_cast %rem3A_33 : i32 to index
        %swap3A_549 = arith.index_cast %scan3A_427 : i32 to index
        %swap3A_550 = arith.constant 48 : index
        %swap3A_551 = tpu.vector_load %arg9[%swap3A_548, %swap3A_549, %swap3A_550] {strides = array<i32>} : memref<2x320x64xf32, #tpu.memory_space<vmem>>, vector<16xf32>,
        tpu.vector_store %arg9[%swap3A_548, %swap3A_549, %swap3A_550], %add3A_547 {strides = array<i32>} : memref<2x320x64xf32, #tpu.memory_space<vmem>>, vector<16xf32>,
      }
      %scan3A_51 = arith.constant 320 : i32
      %mul3A_52 = arith.constant 320 : i32
      %mul3A_53 = arith.muli %scan3A_31, %mul3A_52 : i32
      %add3A_54 = arith.addi %mul3A_2, %mul3A_53 : i32
      "tpu.region"() ({
        %run_scoped3A = tpu.sem_alloc : memref<!tpu.dma_semaphore, #tpu.memory_space<semaphore_mem>>
        %dma_start3A = arith.constant 0 : i32
        %dma_start3A_55 = arith.constant 0 : i32
        %dma_start3A_56 = tpu.memref_slice %arg9[%rem3A_33, %dma_start3A, %dma_start3A_55] : memref<2x320x64xf32, #tpu.memory_space<vmem>> -> memref<1x320x64xf32, #tpu.memory_space<vmem>>
        %dma_start3A_57 = tpu.memref_squeeze %dma_start3A_56 : memref<1x320x64xf32, #tpu.memory_space<vmem>> -> memref<320x64xf32, #tpu.memory_space<vmem>>
        %dma_start3A_58 = arith.constant 0 : i32
        %dma_start3A_59 = tpu.memref_slice %arg7[%add3A_54, %dma_start3A_58] : memref<81920x64xf32, #tpu.memory_space<hbm>> -> memref<320x64xf32, #tpu.memory_space<hbm>>
        %dma_start3A_60 = arith.constant 0 : i32
        %dma_start3A_61 = tpu.memref_slice %arg7[%add3A_54, %dma_start3A_60] : memref<81920x64xf32, #tpu.memory_space<hbm>> -> memref<320x64xf32, #tpu.memory_space<hbm>>
        %dma_start3A_62 = arith.constant 0 : i32
        %dma_start3A_63 = arith.constant 0 : i32
        %dma_start3A_64 = tpu.memref_slice %arg9[%rem3A_33, %dma_start3A_62, %dma_start3A_63] : memref<2x320x64xf32, #tpu.memory_space<vmem>> -> memref<1x320x64xf32, #tpu.memory_space<vmem>>
        %dma_start3A_65 = tpu.memref_squeeze %dma_start3A_64 : memref<1x320x64xf32, #tpu.memory_space<vmem>> -> memref<320x64xf32, #tpu.memory_space<vmem>>
        tpu.enqueue_dma source(%dma_start3A_65 : memref<320x64xf32, #tpu.memory_space<vmem>>) target(%dma_start3A_61 : memref<320x64xf32, #tpu.memory_space<hbm>>) target_semaphore(%run_scoped3A : memref<!tpu.dma_semaphore, #tpu.memory_space<semaphore_mem>>)
        %dma_wait3A = arith.constant 0 : i32
        %dma_wait3A_66 = arith.constant 0 : i32
        %dma_wait3A_67 = tpu.memref_slice %arg9[%rem3A_33, %dma_wait3A, %dma_wait3A_66] : memref<2x320x64xf32, #tpu.memory_space<vmem>> -> memref<1x320x64xf32, #tpu.memory_space<vmem>>
        %dma_wait3A_68 = tpu.memref_squeeze %dma_wait3A_67 : memref<1x320x64xf32, #tpu.memory_space<vmem>> -> memref<320x64xf32, #tpu.memory_space<vmem>>
        %dma_wait3A_69 = arith.constant 0 : i32
        %dma_wait3A_70 = tpu.memref_slice %arg7[%add3A_54, %dma_wait3A_69] : memref<81920x64xf32, #tpu.memory_space<hbm>> -> memref<320x64xf32, #tpu.memory_space<hbm>>
        %dma_wait3A_71 = arith.constant 0 : i32
        %dma_wait3A_72 = tpu.memref_slice %arg7[%add3A_54, %dma_wait3A_71] : memref<81920x64xf32, #tpu.memory_space<hbm>> -> memref<320x64xf32, #tpu.memory_space<hbm>>
        %dma_wait3A_73 = arith.constant 0 : i32
        %dma_wait3A_74 = arith.constant 0 : i32
        %dma_wait3A_75 = tpu.memref_slice %arg9[%rem3A_33, %dma_wait3A_73, %dma_wait3A_74] : memref<2x320x64xf32, #tpu.memory_space<vmem>> -> memref<1x320x64xf32, #tpu.memory_space<vmem>>
        %dma_wait3A_76 = tpu.memref_squeeze %dma_wait3A_75 : memref<1x320x64xf32, #tpu.memory_space<vmem>> -> memref<320x64xf32, #tpu.memory_space<vmem>>
        tpu.wait_dma2 semaphore(%run_scoped3A : memref<!tpu.dma_semaphore, #tpu.memory_space<semaphore_mem>>) src(%dma_wait3A_76 : memref<320x64xf32, #tpu.memory_space<vmem>>) dst(%dma_wait3A_72 : memref<320x64xf32, #tpu.memory_space<hbm>>)
        tpu.yield
      }) : () -> ()
    }
    %scan3A_30 = arith.constant 8 : i32
    return
  }
}

</mosaic_0001>

<sc_bundles>
// kernel: kernel.3.cloned.1.call-start
scs
__scs_entry_jumppad:
0x0: {  	(pc) =	sbr.rel $0x88, $3  }
0x1: {  	(tag) =	ssettag $0x0;
	lr =	simm.s32 $0x1  }
0x2: {  	[smem:$0x3F9C] =	sst lr;
	_ =	strace $0xD0000000  }
0x3: {  	_ = 	snop  }
0x4: {  	_ = 	snop  }
0x5: {  	_ = 	snop  }
0x6: {  	_ = 	snop  }
0x7: {  	_ = 	snop  }
__scs_overlays_trampoline_lowered:
0x8: {  	[smem:$0x3FAB] =	sst s0  }
0x9: {  	[smem:$0x3FAC] =	sst s1  }
0xa: {  	[smem:$0x3FAD] =	sst s2  }
0xb: {  	[smem:$0x3FAE] =	sst s3  }
0xc: {  	[smem:$0x3FAF] =	sst s4  }
0xd: {  	[smem:$0x3FB0] =	sst s5  }
0xe: {  	[smem:$0x3FB1] =	sst s6  }
0xf: {  	[smem:$0x3FB2] =	sst s7  }
0x10: {  	[smem:$0x3FB3] =	sst s8  }
0x11: {  	[smem:$0x3FB4] =	sst s9;
	s0 =	simm.s32 @!p0 $0x0  }
0x12: {  	s1 =	sld [smem:$0x3F9A];
	s0 =	simm.s32 @p0 $0x1  }
0x13: {  	[smem:$0x3FB5] =	sst s0;
	s0 =	simm.s32 @!p1 $0x0  }
0x14: {  	s2 =	sld [smem:$0x3F99];
	s0 =	simm.s32 @p1 $0x1  }
0x15: {  	[smem:$0x3FB6] =	sst s0;
	s0 =	simm.s32 @!p2 $0x0  }
0x16: {  	s3 =	sld [smem:$0x3FDB];
	s0 =	simm.s32 @p2 $0x1  }
0x17: {  	s4 =	simm.s32 $0x1BF5;
	[smem:$0x3FB8] =	sst s0  }
0x18: {  	s0 =	sld [smem:$0x3F9B];
	_ =	swait.ge [sflag:s4], $0x0  }
0x19: {  	s7 =	sld [smem:$0x3F9C]  }
0x1a: {  	s8 =	sadd.s32 $0xFFFFE003, lr  }
0x1b: {  	s9 =	sadd.s32 $0xFFFFFEF7, lr;
	s5 =	simm.s32 $0xFFFFFFFF;
	p2 =	slt.u32 s8, $0xFFFFF086  }
0x1c: {  	p1 =	slt.u32 s9, $0xF7A;
	s5 =	simm.s32 @!p2 $0x0  }
0x1d: {  	s5 =	simm.s32 @p1 $0x1;
	p0 =	seq.s32 s7, s2  }
0x1e: {  	s7 =	smul.u32 @!p0 $0xF7A, s2;
	p2 =	seq.s32 @!p0 s5, $0x0  }
0x1f: {  	s9 =	smul.u32 $0xF7A, s1;
	s8 =	simm.s32 @!p0 $0x1BF5;
	p2 =	por !p2, p0  }
0x20: {  	[sflag:s8] =	ssyncset.s32 @!p0 $0xFFFFF086;
	s6 =	sadd.s32 @!p0 s3, s7;
	s7 =	simm.s32 @!p0 $0x108  }
0x21: {  	s3 =	sadd.s32 s3, s9;
	s6 =	sadd.s32 @!p0 $0x88, s6;
	s7 =	simm.s32 @p2 $0x1082  }
0x22: {  	[simem:s7], [sflag:s8] =	dma.local @!p0 [hbm:s6], $0xF7A  }
0x23: {  	s9 =	sor.u32 $0xD0000000, s2;
	s6 =	simm.s32 $0x108;
	_ =	swait.ge @!p0 [sflag:s8], $0x0  }
0x24: {  	s3 =	sadd.s32 $0x88, s3;
	s6 =	simm.s32 @!p1 $0x1082;
	[sflag:s4] =	ssyncset.s32 $0xFFFFF086  }
0x25: {  	[simem:s6], [sflag:s4] =	dma.local [hbm:s3], $0xF7A  }
0x26: {  	[smem:$0x3F9C] =	sst s1;
	(tag) =	ssettag s2;
	_ =	strace s9  }
0x27: {  	s1 =	sld [smem:$0x3FAC]  }
0x28: {  	s2 =	sld [smem:$0x3FAD]  }
0x29: {  	s4 =	sld [smem:$0x3FAF]  }
0x2a: {  	p0 =	seq.s32 s5, $0x0;
	s5 =	sld [smem:$0x3FB0]  }
0x2b: {  	s6 =	sld [smem:$0x3FB1]  }
0x2c: {  	s7 =	sld [smem:$0x3FB2]  }
0x2d: {  	s3 =	simm.s32 $0x108;
	s8 =	sld [smem:$0x3FB3]  }
0x2e: {  	s3 =	simm.s32 @!p0 $0x1082;
	s9 =	sld [smem:$0x3FB4]  }
0x2f: {  	lr =	sadd.s32 s0, s3;
	s0 =	sld [smem:$0x3FAB]  }
0x30: {  	s3 =	sld [smem:$0x3FAE]  }
0x31: {  	[smem:$0x3FB7] =	sst s10  }
0x32: {  	s10 =	sld [smem:$0x3FB5];
	_ =	sdelay $0x3  }
0x33: {  	p0 =	seq.s32 s10, $0x1;
	s10 =	sld [smem:$0x3FB7];
	_ =	sdelay $0x3  }
0x34: {  	[smem:$0x3FB7] =	sst s10  }
0x35: {  	s10 =	sld [smem:$0x3FB6];
	_ =	sdelay $0x3  }
0x36: {  	p1 =	seq.s32 s10, $0x1;
	s10 =	sld [smem:$0x3FB7];
	_ =	sdelay $0x3  }
0x37: {  	[smem:$0x3FB7] =	sst s10  }
0x38: {  	s10 =	sld [smem:$0x3FB8]  }
0x39: {  	_ = 	snop;
	(pc) =	sbr.ind lr, $3  }
0x3a: {  	_ = 	snop  }
0x3b: {  	_ = 	snop  }
0x3c: {  	p2 =	seq.s32 s10, $0x1;
	s10 =	sld [smem:$0x3FB7]  }
0x3d: {  	_ =	shalt  }
0x3e: {  	_ =	shalt  }
0x3f: {  	_ =	shalt  }
0x40: {  	_ =	shalt  }
0x41: {  	_ =	shalt  }
0x42: {  	_ =	shalt  }
0x43: {  	_ =	shalt  }
0x44: {  	_ =	shalt  }
0x45: {  	_ =	shalt  }
0x46: {  	_ =	shalt  }
0x47: {  	_ =	shalt  }
0x48: {  	_ =	shalt  }
0x49: {  	_ =	shalt  }
0x4a: {  	_ =	shalt  }
0x4b: {  	_ =	shalt  }
0x4c: {  	_ =	shalt  }
0x4d: {  	_ =	shalt  }
0x4e: {  	_ =	shalt  }
0x4f: {  	_ =	shalt  }
0x50: {  	_ =	shalt  }
0x51: {  	_ =	shalt  }
0x52: {  	_ =	shalt  }
0x53: {  	_ =	shalt  }
0x54: {  	_ =	shalt  }
0x55: {  	_ =	shalt  }
0x56: {  	_ =	shalt  }
0x57: {  	_ =	shalt  }
0x58: {  	_ =	shalt  }
0x59: {  	_ =	shalt  }
0x5a: {  	_ =	shalt  }
0x5b: {  	_ =	shalt  }
0x5c: {  	_ =	shalt  }
0x5d: {  	_ =	shalt  }
0x5e: {  	_ =	shalt  }
0x5f: {  	_ =	shalt  }
0x60: {  	_ =	shalt  }
0x61: {  	_ =	shalt  }
0x62: {  	_ =	shalt  }
0x63: {  	_ =	shalt  }
0x64: {  	_ =	shalt  }
0x65: {  	_ =	shalt  }
0x66: {  	_ =	shalt  }
0x67: {  	_ =	shalt  }
0x68: {  	_ =	shalt  }
0x69: {  	_ =	shalt  }
0x6a: {  	_ =	shalt  }
0x6b: {  	_ =	shalt  }
0x6c: {  	_ =	shalt  }
0x6d: {  	_ =	shalt  }
0x6e: {  	_ =	shalt  }
0x6f: {  	_ =	shalt  }
0x70: {  	_ =	shalt  }
0x71: {  	_ =	shalt  }
0x72: {  	_ =	shalt  }
0x73: {  	_ =	shalt  }
0x74: {  	_ =	shalt  }
0x75: {  	_ =	shalt  }
0x76: {  	_ =	shalt  }
0x77: {  	_ =	shalt  }
0x78: {  	_ =	shalt  }
0x79: {  	_ =	shalt  }
0x7a: {  	_ =	shalt  }
0x7b: {  	_ =	shalt  }
0x7c: {  	_ =	shalt  }
0x7d: {  	_ =	shalt  }
0x7e: {  	_ =	shalt  }
0x7f: {  	_ =	shalt  }
0x80: {  	_ =	shalt  }
0x81: {  	_ =	shalt  }
0x82: {  	_ =	shalt  }
0x83: {  	_ =	shalt  }
0x84: {  	_ =	shalt  }
0x85: {  	_ =	shalt  }
0x86: {  	_ =	shalt  }
0x87: {  	_ =	shalt  }
.Lfunc_end0:
.L_simem_size_0:
called_computation_lowered:
.L_overlay_start_0:
0x88: {  	s2 =	sld [smem:$0x3FD9]  }
0x89: {  	s3 =	sld [smem:$0x3FFE];
	_ =	sdelay $0x1  }
0x8a: {  	s1 =	srdreg.scid  }
0x8b: {  	s0 =	sand.u32 $0x1, s1  }
0x8c: {  	s17 =	sshll.u32 s0, $0xA;
	s2 =	sadd.s32 s3, s2  }
0x8d: {  	s2 =	sadd.s32 s2, s17  }
0x8e: {  	[smem:$0x3FC3] =	sst s2  }
0x8f: {  	_ = 	snop  }
0x90: {  	s2 =	sld [smem:$0x3FC7]  }
0x91: {  	s18 =	sld [smem:$0x3FC6]  }
0x92: {  	s4 =	sld [smem:$0x3FC5]  }
0x93: {  	s5 =	sld [smem:$0x3FD0];
	(tm) =	ssettm $0x1  }
0x94: {  	s6 =	sld [smem:$0x3FFB];
	_ =	sdelay $0x3  }
0x95: {  	_ =	strace s6  }
0x96: {  	s6 =	sld [smem:$0x3FFC];
	_ =	sdelay $0x3  }
0x97: {  	_ =	strace s6  }
0x98: {  	s6 =	sld [smem:$0x3FFD];
	_ =	sdelay $0x3  }
0x99: {  	_ =	strace s6  }
0x9a: {  	_ =	strace $0x8FFFFFFF  }
0x9b: {  	s19 =	sld [smem:$0x3FDB];
	_ =	sdelay $0x1  }
0x9c: {  	s7 =	simm.s32 $_scs_section_size  }
0x9d: {  	s8 =	simm.s32 $_size__tile_overlayer_lowered;
	s9 =	simm.s32 $_tile_overlayer_lowered  }
0x9e: {  	s22 =	simm.s32 $0x1BFF;
	s21 =	sshll.u32 s9, $0x1;
	s6 =	sadd.s32 s7, s19  }
0x9f: {  	s10 =	simm.s32 $0x0;
	s20 =	sshll.u32 s8, $0x1;
	s8 =	sadd.s32 s21, s6  }
0xa0: {  	[timem:s10], [sflag:s22] =	dma.local [hbm:s8], s20  }
0xa1: {  	_ =	swait.ge [sflag:s22], s20  }
0xa2: {  	s7 =	ssub.s32 $0x0, s20;
	[sflag:s22] =	ssyncset.done $0x0  }
0xa3: {  	[sflag:s22] =	ssyncadd.s32 s7;
	_ =	sdelay $0x1  }
0xa4: {  	s23 =	simm.s32 $0x1B8B  }
0xa5: {  	_ =	swait.ge [sflag:s23], $0x1  }
0xa6: {  	[sflag:s23] =	ssyncset.done $0x0  }
0xa7: {  	s25 =	simm.s32 $0x1B8E;
	s24 =	sld [smem:$0x3FFE];
	[sflag:s23] =	ssyncadd.s32 $0xFFFFFFFF  }
0xa8: {  	s26 =	simm.s32 $execute0_lowered;
	[smem:$0x3FD2] =	sst s25  }
0xa9: {  	s8 =	sshll.u32 s26, $0x1;
	_ =	strace $0x80000046;
	[dreg:$0x1] =	wrdreg $0xFFFFFFFF  }
0xaa: {  	s28 =	simm.s32 $_size_execute0_lowered;
	s6 =	sadd.s32 s6, s8;
	[dreg:$0x0] =	wrdreg $0x0  }
0xab: {  	s8 =	sshll.u32 s28, $0x1;
	[dreg:$0x2] =	wrdreg s6  }
0xac: {  	[dreg:$0x3] =	wrdreg s8  }
0xad: {  	[dreg:$0x4] =	wrdreg $0xC0  }
0xae: {  	_ =	task [dreg:s10], $0x5FFFF  }
0xaf: {  	[dreg:$0x1] =	wrdreg $0xFFFFFFFF  }
0xb0: {  	[dreg:$0x0] =	wrdreg $0x60  }
0xb1: {  	[dreg:$0x2] =	wrdreg s5  }
0xb2: {  	[dreg:$0x3] =	wrdreg s24  }
0xb3: {  	[dreg:$0x4] =	wrdreg s2  }
0xb4: {  	[dreg:$0x5] =	wrdreg s18  }
0xb5: {  	[dreg:$0x6] =	wrdreg s4  }
0xb6: {  	[dreg:$0x7] =	wrdreg $0x9  }
0xb7: {  	_ =	task.clear_ibuf [dreg:s10], $0x8FFFF;
	_ =	strace $0x90000046  }
0xb8: {  	s29 =	simm.s32 $0x9;
	_ =	strace $0x80000048  }
0xb9: {  	_ =	swait.ge [sflag:s29], $0x1  }
0xba: {  	[sflag:s29] =	ssyncadd.s32 $0xFFFFFFFF  }
0xbb: {  	_ =	strace $0x90000048  }
0xbc: {  	_ =	sfence  }
0xbd: {  	s30 =	sld [smem:$0x0];
	_ =	sdelay $0x2  }
0xbe: {  	s31 =	sshll.u32 s1, $0xD;
	s1 =	sshrl.u32 s1, $0x2  }
0xbf: {  	s3 =	sand.u32 $0x4000, s31;
	s1 =	sadd.s32 s1, s30  }
0xc0: {  	s0 =	sor.u32 s3, s0;
	s1 =	sshll.u32 s1, $0x11  }
0xc1: {  	s0 =	sor.u32 s1, s0  }
0xc2: {  	s0 =	sadd.s32 $0x8F2B, s0  }
0xc3: {  	[sflag:s0] =	ssyncadd.remote.s32 $0x1  }
0xc4: {  	_ =	sfence.sel $0xFFFF  }
0xc5: {  	[dreg:$0x0] =	wrdreg $0xFFFFFFFF;
	(pc) =	sbr.abs _section_cstart, $3  }
0xc6: {  	[dreg:$0x1] =	wrdreg $0xFFFFFFFF  }
0xc7: {  	_ =	task.clear_ibuf [dreg:s10], $0x2FFFF;
	_ =	strace $0x9FFFFFFF  }
0xc8: {  	(tm) =	ssettm $0x7FFFFFFF  }
0xc9: {  	_ =	shalt  }
tec
execute0_lowered:
.L_overlay_start_1:
0x0: {  	(tag) =	ssettag $0x1  }
0x1: {  	s0 =	rddreg [dreg:$0x0]  }
0x2: {  	s1 =	rddreg [dreg:$0x1];
	s2 =	srdreg.scid  }
0x3: {  	s4 =	stileid.u32;
	s5 =	simm.s32 $0x0;
	s2 =	sand.u32 $0x1, s2  }
0x4: {  	s3 =	sshll.u32 s4, $0x1;
	[smem:$0x7FF] =	sst s5;
	s4 =	sshrl.u32 s4, $0x2  }
0x5: {  	s6 =	sadd.s32 $0x400, s1;
	s3 =	sor.u32 s2, s3;
	s2 =	ssub.s32 $0x2, s2  }
0x6: {  	s4 =	smul.u32 $0x5000, s4;
	s7 =	sshll.u32 s3, $0x7;
	s29 =	sshrl.u32 s2, $0x1  }
0x7: {  	s13 =	sadd.s32 $0xF42800, s1;
	s8 =	sand.u32 $0x380, s7;
	s1 =	ssub.s32 s2, s29  }
0x8: {  	s4 =	sor.u32 s4, s8;
	s8 =	smul.u32 $0xA00, s3;
	s31 =	smax.u32 s1, $0x1  }
0x9: {  	_ =	strace $0x80000047;
	s30 =	sshrl.u32 s4, $0x3;
	[dreg:$0x9] =	wrdreg s31  }
0xa: {  	s0 =	sadd.s32 s0, s30;
	[dreg:$0x7] =	wrdreg s8  }
0xb: {  	s9 =	simm.s32 $0x3;
	s1 =	simm.s32 $0x0;
	[dreg:$0x8] =	wrdreg s0  }
.LBB2_1:
0xc: {  	[dreg:$0xa] =	wrdreg s1  }
0xd: {  	s0 =	rddreg [dreg:$0x8];
	s24 =	simm.s32 $0x80;
	s2 =	simm.s32 $0x400  }
0xe: {  	[tilespmem:s5], [sflag:$0x3] =	stream.strided.gather [hbm4b:s0+s24], $0xA00, s2, s24, $0x38;
	[tilespmem:$0x15700] =	vst v63  }
0xf: {  	_ =	swait.ge [sflag:s9], $0xA00  }
0x10: {  	[sflag:s9] =	ssyncset.done $0x0  }
0x11: {  	[sflag:s9] =	ssyncadd.s32 $0xFFFFF600  }
0x12: {  	s26 =	simm.s32 $0x14A00;
	s25 =	rddreg [dreg:$0x2]  }
0x13: {  	[tilespmem:s26], [sflag:$0x3] =	stream.linear.gather [hbm4b:s25+s5], $0xA00, $0x38;
	[tilespmem:$0x15700] =	vst v63  }
0x14: {  	_ =	swait.ge [sflag:s9], $0xA00  }
0x15: {  	[sflag:s9] =	ssyncset.done $0x0  }
0x16: {  	[sflag:s9] =	ssyncadd.s32 $0xFFFFF600  }
0x17: {  	s29 =	simm.s32 $0x15600;
	s28 =	rddreg [dreg:$0x3]  }
0x18: {  	[tilespmem:s29], [sflag:$0x3] =	stream.linear.gather [hbm4b:s28+s5], $0x80, $0x38;
	[tilespmem:$0x15700] =	vst v63  }
0x19: {  	_ =	swait.ge [sflag:s9], $0x80  }
0x1a: {  	[sflag:s9] =	ssyncset.done $0x0  }
0x1b: {  	[sflag:s9] =	ssyncadd.s32 $0xFFFFFF80  }
0x1c: {  	s31 =	simm.s32 $0x15680;
	s30 =	rddreg [dreg:$0x4]  }
0x1d: {  	[tilespmem:s31], [sflag:$0x3] =	stream.linear.gather [hbm4b:s30+s5], $0x80, $0x38;
	[tilespmem:$0x15700] =	vst v63  }
0x1e: {  	_ =	swait.ge [sflag:s9], $0x80  }
0x1f: {  	[sflag:s9] =	ssyncset.done $0x0  }
0x20: {  	[sflag:s9] =	ssyncadd.s32 $0xFFFFFF80  }
0x21: {  	v1 =	vld [tilespmem:s5+$0x0];
	_ =	sdelay $0x4  }
0x22: {  	v8 =	vshll.u32 v1, $0x4  }
0x23: {  	(v2sf) =	vpush v8, $0x0  }
0x24: {  	v0 =	vld [tilespmem:$0x15600];
	(v2sf) =	vpush v8, $0x1  }
0x25: {  	v2 =	vld [tilespmem:$0x15620];
	(v2sf) =	vpush v8, $0x2  }
0x26: {  	v3 =	vld [tilespmem:$0x15630]  }
0x27: {  	v4 =	vld [tilespmem:$0x15680];
	(v2sf) =	vpush v8, $0x4  }
0x28: {  	v5 =	vld [tilespmem:$0x15690]  }
0x29: {  	v6 =	vld [tilespmem:$0x156A0];
	(v2sf) =	vpush v8, $0x3  }
0x2a: {  	v7 =	vld [tilespmem:$0x156B0];
	(v2sf) =	vpush v8, $0x5  }
0x2b: {  	s20 =	simm.s32 $0x2000;
	s19 =	simm.s32 $0x0;
	s21 =	simm.s32 $0x0;
	v1 =	vld [tilespmem:$0x15610];
	(v2sf) =	vpush v8, $0x6  }
.LBB2_2:
0x2c: {  	p0 =	sne.s32 s20, $0x26000  }
0x2d: {  	s11 =	sadd.s32 $0xA80, s19;
	s25 =	sadd.s32 $0xF80, s19;
	s22 =	smov.u32 s20  }
0x2e: {  	s20 =	sadd.s32 $0x2000, s20;
	s2 =	sadd.s32 $0xD80, s19;
	s23 =	sadd.s32 $0x1000, s19;
	(v2sf) =	vpush v8, $0x7  }
0x2f: {  	s4 =	sadd.s32 $0xC80, s19;
	s0 =	sadd.s32 $0xE00, s19;
	s24 =	sadd.s32 $0x1080, s19  }
0x30: {  	s26 =	sadd.s32 $0xA00, s19;
	s28 =	sadd.s32 $0xC00, s19;
	(v2sf) =	vpush v8, $0x8  }
0x31: {  	s18 =	simm.s32 $0x0;
	s29 =	sadd.s32 $0xD00, s19;
	s21 =	sadd.s32 $0x10, s21  }
0x32: {  	s30 =	sadd.s32 $0xB00, s19;
	s1 =	sadd.s32 $0xF00, s19;
	s3 =	spop (v2sf);
	(v2sf) =	vpush v8, $0x9  }
0x33: {  	s31 =	sand.u32 $0x1FFFFFF0, s3;
	s3 =	sadd.s32 $0xE80, s19;
	s12 =	spop (v2sf)  }
0x34: {  	s31 =	sadd.s32 s6, s31;
	s12 =	sand.u32 $0x1FFFFFF0, s12;
	s14 =	spop (v2sf);
	(v2sf) =	vpush v8, $0xA  }
0x35: {  	[tilespmem:s26], [sflag:$0x1] =	stream.linear.gather [hbm4b:s31+s18], $0x80, $0x38;
	[tilespmem:$0x15700] =	vst v63  }
0x36: {  	s12 =	sadd.s32 s6, s12;
	s26 =	sadd.s32 $0xB80, s19;
	s31 =	spop (v2sf);
	(v2sf) =	vpush v8, $0xB  }
0x37: {  	[tilespmem:s11], [sflag:$0x1] =	stream.linear.gather [hbm4b:s12+s18], $0x80, $0x38;
	[tilespmem:$0x15700] =	vst v63  }
0x38: {  	s11 =	sand.u32 $0x1FFFFFF0, s14;
	s12 =	sand.u32 $0x1FFFFFF0, s31;
	s14 =	spop (v2sf);
	(v2sf) =	vpush v8, $0xC  }
0x39: {  	s11 =	sadd.s32 s6, s11;
	s14 =	sand.u32 $0x1FFFFFF0, s14;
	s31 =	spop (v2sf)  }
0x3a: {  	[tilespmem:s30], [sflag:$0x1] =	stream.linear.gather [hbm4b:s11+s18], $0x80, $0x38;
	(v2sf) =	vpush v8, $0xD;
	[tilespmem:$0x15700] =	vst v63  }
0x3b: {  	s11 =	sadd.s32 s6, s14;
	s14 =	sand.u32 $0x1FFFFFF0, s31;
	s30 =	spop (v2sf)  }
0x3c: {  	[tilespmem:s26], [sflag:$0x1] =	stream.linear.gather [hbm4b:s11+s18], $0x80, $0x38;
	(v2sf) =	vpush v8, $0xE;
	[tilespmem:$0x15700] =	vst v63  }
0x3d: {  	s11 =	sadd.s32 s6, s12;
	s12 =	sand.u32 $0x1FFFFFF0, s30;
	s26 =	spop (v2sf)  }
0x3e: {  	[tilespmem:s28], [sflag:$0x1] =	stream.linear.gather [hbm4b:s11+s18], $0x80, $0x38;
	(v2sf) =	vpush v8, $0xF;
	[tilespmem:$0x15700] =	vst v63  }
0x3f: {  	s11 =	sadd.s32 s6, s14;
	s14 =	sand.u32 $0x1FFFFFF0, s26;
	s26 =	spop (v2sf)  }
0x40: {  	[tilespmem:s4], [sflag:$0x1] =	stream.linear.gather [hbm4b:s11+s18], $0x80, $0x38;
	[tilespmem:$0x15700] =	vst v63  }
0x41: {  	s4 =	sadd.s32 s6, s12;
	s11 =	sand.u32 $0x1FFFFFF0, s26;
	s12 =	spop (v2sf)  }
0x42: {  	[tilespmem:s29], [sflag:$0x1] =	stream.linear.gather [hbm4b:s4+s18], $0x80, $0x38;
	[tilespmem:$0x15700] =	vst v63  }
0x43: {  	s4 =	sadd.s32 s6, s14;
	s12 =	sand.u32 $0x1FFFFFF0, s12;
	s14 =	spop (v2sf)  }
0x44: {  	[tilespmem:s2], [sflag:$0x1] =	stream.linear.gather [hbm4b:s4+s18], $0x80, $0x38;
	[tilespmem:$0x15700] =	vst v63  }
0x45: {  	s2 =	sadd.s32 s6, s11;
	s4 =	sand.u32 $0x1FFFFFF0, s14;
	s11 =	spop (v2sf)  }
0x46: {  	[tilespmem:s0], [sflag:$0x1] =	stream.linear.gather [hbm4b:s2+s18], $0x80, $0x38;
	[tilespmem:$0x15700] =	vst v63  }
0x47: {  	s0 =	sadd.s32 s6, s12;
	s2 =	sand.u32 $0x1FFFFFF0, s11;
	s11 =	spop (v2sf)  }
0x48: {  	[tilespmem:s3], [sflag:$0x1] =	stream.linear.gather [hbm4b:s0+s18], $0x80, $0x38;
	[tilespmem:$0x15700] =	vst v63  }
0x49: {  	s0 =	sadd.s32 s6, s4;
	s3 =	sand.u32 $0x1FFFFFF0, s11;
	s4 =	spop (v2sf)  }
0x4a: {  	[tilespmem:s1], [sflag:$0x1] =	stream.linear.gather [hbm4b:s0+s18], $0x80, $0x38;
	[tilespmem:$0x15700] =	vst v63  }
0x4b: {  	s0 =	sadd.s32 s6, s2;
	s1 =	sand.u32 $0x1FFFFFF0, s4;
	s2 =	spop (v2sf)  }
0x4c: {  	[tilespmem:s25], [sflag:$0x1] =	stream.linear.gather [hbm4b:s0+s18], $0x80, $0x38;
	[tilespmem:$0x15700] =	vst v63  }
0x4d: {  	s0 =	sadd.s32 s6, s3;
	s2 =	sand.u32 $0x1FFFFFF0, s2;
	s3 =	spop (v2sf)  }
0x4e: {  	[tilespmem:s23], [sflag:$0x1] =	stream.linear.gather [hbm4b:s0+s18], $0x80, $0x38;
	[tilespmem:$0x15700] =	vst v63  }
0x4f: {  	s0 =	sadd.s32 s6, s1;
	s1 =	sand.u32 $0x1FFFFFF0, s3  }
0x50: {  	[tilespmem:s24], [sflag:$0x1] =	stream.linear.gather [hbm4b:s0+s18], $0x80, $0x38;
	[tilespmem:$0x15700] =	vst v63  }
0x51: {  	s2 =	sadd.s32 s6, s2;
	s0 =	sadd.s32 $0x1100, s19  }
0x52: {  	[tilespmem:s0], [sflag:$0x1] =	stream.linear.gather [hbm4b:s2+s18], $0x80, $0x38;
	[tilespmem:$0x15700] =	vst v63  }
0x53: {  	s1 =	sadd.s32 s6, s1;
	s0 =	sadd.s32 $0x1180, s19  }
0x54: {  	[tilespmem:s0], [sflag:$0x1] =	stream.linear.gather [hbm4b:s1+s18], $0x80, $0x38;
	[tilespmem:$0x15700] =	vst v63  }
0x55: {  	v8 =	vld [tilespmem:s21+$0x0];
	_ =	sdelay $0x4  }
0x56: {  	v8 =	vshll.u32 v8, $0x4  }
0x57: {  	(v2sf) =	vpush v8, $0x0  }
0x58: {  	(v2sf) =	vpush v8, $0x1  }
0x59: {  	(v2sf) =	vpush v8, $0x2;
	_ =	sdelay $0x1  }
0x5a: {  	(v2sf) =	vpush v8, $0x4  }
.Ltmp0:
0x5b: {  	(pc) =	sbr.rel @p0 .LBB2_2-.Ltmp0, $3  }
0x5c: {  	(v2sf) =	vpush v8, $0x3  }
0x5d: {  	(v2sf) =	vpush v8, $0x5;
	_ =	sdelay $0x1  }
0x5e: {  	s19 =	sshra.s32 s22, $0x2;
	(v2sf) =	vpush v8, $0x6  }
0x5f: {  	_ = 	snop  }
0x60: {  	s3 =	sadd.s32 $0xA80, s19  }
0x61: {  	s2 =	sadd.s32 $0xF80, s19;
	s4 =	sadd.s32 $0xD80, s19;
	s0 =	sadd.s32 $0x1000, s19  }
0x62: {  	(v2sf) =	vpush v8, $0x7;
	s11 =	sadd.s32 $0xC80, s19;
	s12 =	sadd.s32 $0xE00, s19;
	s1 =	sadd.s32 $0x1080, s19  }
0x63: {  	s14 =	sadd.s32 $0xA00, s19;
	s20 =	sadd.s32 $0xC00, s19;
	s21 =	sadd.s32 $0xD00, s19  }
0x64: {  	s23 =	sadd.s32 $0xB00, s19;
	s26 =	sadd.s32 $0xB80, s19;
	(v2sf) =	vpush v8, $0x8;
	s22 =	spop (v2sf)  }
0x65: {  	p0 =	por $0x1, $0x1;
	s22 =	sand.u32 $0x1FFFFFF0, s22;
	s24 =	spop (v2sf)  }
0x66: {  	(v2sf) =	vpush v8, $0x9;
	s22 =	sadd.s32 s6, s22;
	s24 =	sand.u32 $0x1FFFFFF0, s24;
	s25 =	spop (v2sf)  }
0x67: {  	[tilespmem:s14], [sflag:$0x1] =	stream.linear.gather [hbm4b:s22+s18], $0x80, $0x38;
	[tilespmem:$0x15700] =	vst v63  }
0x68: {  	p1 =	por $0x0, $0x0;
	(v2sf) =	vpush v8, $0xA;
	s31 =	sadd.s32 s6, s24;
	s7 =	spop (v2sf)  }
0x69: {  	[tilespmem:s3], [sflag:$0x1] =	stream.linear.gather [hbm4b:s31+s18], $0x80, $0x38;
	[tilespmem:$0x15700] =	vst v63  }
0x6a: {  	s14 =	sadd.s32 $0xF00, s19;
	s10 =	sand.u32 $0x1FFFFFF0, s25;
	(v2sf) =	vpush v8, $0xB;
	s15 =	spop (v2sf)  }
0x6b: {  	s22 =	sadd.s32 s6, s10;
	s3 =	sadd.s32 $0xE80, s19;
	s25 =	sand.u32 $0x1FFFFFF0, s15  }
0x6c: {  	(v2sf) =	vpush v8, $0xC;
	[tilespmem:s23], [sflag:$0x1] =	stream.linear.gather [hbm4b:s22+s18], $0x80, $0x38;
	[tilespmem:$0x15700] =	vst v63  }
0x6d: {  	s16 =	sand.u32 $0x1FFFFFF0, s7;
	s17 =	spop (v2sf);
	s25 =	sadd.s32 s6, s25  }
0x6e: {  	(v2sf) =	vpush v8, $0xD;
	[tilespmem:s26], [sflag:$0x1] =	stream.linear.gather [hbm4b:s25+s18], $0x80, $0x38;
	[tilespmem:$0x15700] =	vst v63  }
0x6f: {  	s22 =	sadd.s32 s6, s16;
	s23 =	sand.u32 $0x1FFFFFF0, s17;
	s28 =	spop (v2sf)  }
0x70: {  	(v2sf) =	vpush v8, $0xE;
	[tilespmem:s20], [sflag:$0x1] =	stream.linear.gather [hbm4b:s22+s18], $0x80, $0x38;
	[tilespmem:$0x15700] =	vst v63  }
0x71: {  	s23 =	sadd.s32 s6, s23;
	s29 =	sand.u32 $0x1FFFFFF0, s28;
	s30 =	spop (v2sf)  }
0x72: {  	(v2sf) =	vpush v8, $0xF;
	[tilespmem:s11], [sflag:$0x1] =	stream.linear.gather [hbm4b:s23+s18], $0x80, $0x38;
	[tilespmem:$0x15700] =	vst v63  }
0x73: {  	s31 =	sand.u32 $0x1FFFFFF0, s30;
	s7 =	spop (v2sf);
	s20 =	sadd.s32 s6, s29  }
0x74: {  	[tilespmem:s21], [sflag:$0x1] =	stream.linear.gather [hbm4b:s20+s18], $0x80, $0x38;
	[tilespmem:$0x15700] =	vst v63  }
0x75: {  	s10 =	sand.u32 $0x1FFFFFF0, s7;
	s11 =	sadd.s32 s6, s31;
	s15 =	spop (v2sf)  }
0x76: {  	[tilespmem:s4], [sflag:$0x1] =	stream.linear.gather [hbm4b:s11+s18], $0x80, $0x38;
	[tilespmem:$0x15700] =	vst v63  }
0x77: {  	s20 =	sadd.s32 s6, s10;
	s16 =	sand.u32 $0x1FFFFFF0, s15;
	s17 =	spop (v2sf)  }
0x78: {  	[tilespmem:s12], [sflag:$0x1] =	stream.linear.gather [hbm4b:s20+s18], $0x80, $0x38;
	[tilespmem:$0x15700] =	vst v63  }
0x79: {  	s11 =	sand.u32 $0x1FFFFFF0, s17;
	s4 =	sadd.s32 s6, s16;
	s20 =	spop (v2sf)  }
0x7a: {  	[tilespmem:s3], [sflag:$0x1] =	stream.linear.gather [hbm4b:s4+s18], $0x80, $0x38;
	[tilespmem:$0x15700] =	vst v63  }
0x7b: {  	s11 =	sadd.s32 s6, s11;
	s21 =	sand.u32 $0x1FFFFFF0, s20;
	s22 =	spop (v2sf)  }
0x7c: {  	[tilespmem:s14], [sflag:$0x1] =	stream.linear.gather [hbm4b:s11+s18], $0x80, $0x38;
	[tilespmem:$0x15700] =	vst v63  }
0x7d: {  	s3 =	sadd.s32 s6, s21;
	s4 =	sand.u32 $0x1FFFFFF0, s22;
	s23 =	spop (v2sf)  }
0x7e: {  	[tilespmem:s2], [sflag:$0x1] =	stream.linear.gather [hbm4b:s3+s18], $0x80, $0x38;
	[tilespmem:$0x15700] =	vst v63  }
0x7f: {  	s24 =	sand.u32 $0x1FFFFFF0, s23;
	s4 =	sadd.s32 s6, s4;
	s25 =	spop (v2sf)  }
0x80: {  	[tilespmem:s0], [sflag:$0x1] =	stream.linear.gather [hbm4b:s4+s18], $0x80, $0x38;
	[tilespmem:$0x15700] =	vst v63  }
0x81: {  	s26 =	sand.u32 $0x1FFFFFF0, s25;
	s28 =	spop (v2sf);
	s2 =	sadd.s32 s6, s24  }
0x82: {  	[tilespmem:s1], [sflag:$0x1] =	stream.linear.gather [hbm4b:s2+s18], $0x80, $0x38;
	[tilespmem:$0x15700] =	vst v63  }
0x83: {  	s30 =	sadd.s32 $0x1100, s19;
	s29 =	sand.u32 $0x1FFFFFF0, s28;
	s0 =	sadd.s32 s6, s26  }
0x84: {  	[tilespmem:s30], [sflag:$0x1] =	stream.linear.gather [hbm4b:s0+s18], $0x80, $0x38;
	[tilespmem:$0x15700] =	vst v63  }
0x85: {  	s31 =	sadd.s32 $0x1180, s19;
	s19 =	simm.s32 $0x140;
	s1 =	sadd.s32 s6, s29  }
0x86: {  	[tilespmem:s31], [sflag:$0x1] =	stream.linear.gather [hbm4b:s1+s18], $0x80, $0x38;
	[tilespmem:$0x15700] =	vst v63  }
.LBB2_4:
0x87: {  	s0 =	simm.s32 $0x1  }
0x88: {  	s0 =	simm.s32 @!p0 $0x0  }
0x89: {  	s0 =	smul.u32 $0x28000, s0  }
0x8a: {  	s1 =	simm.s32 $0x1  }
0x8b: {  	s1 =	simm.s32 @!p1 $0x0;
	s0 =	sshrl.u32 s0, $0x2  }
0x8c: {  	s22 =	sand.u32 $0x1, s18;
	s1 =	smul.u32 $0x28000, s1;
	s0 =	sor.u32 $0xA00, s0  }
0x8d: {  	[dreg:$0x6] =	wrdreg s0;
	s0 =	sadd.s32 $0x1, s22  }
0x8e: {  	s1 =	sshrl.u32 s1, $0x2;
	_ =	swait.ge [sflag:s0], $0x80  }
0x8f: {  	s20 =	sor.u32 $0xB00, s1;
	s1 =	simm.s32 $0x13F;
	[sflag:s0] =	ssyncset.done $0x0  }
.LBB2_5:
0x90: {  	p2 =	sne.s32 s1, $0x1;
	s1 =	sadd.s32 $0xFFFFFFFF, s1;
	[sflag:s0] =	ssyncadd.s32 $0xFFFFFF80  }
.Ltmp1:
0x91: {  	(pc) =	sbr.rel @p2 .LBB2_5-.Ltmp1, $3  }
0x92: {  	_ =	sdelay $0x1  }
0x93: {  	_ =	swait.ge [sflag:s0], $0x80  }
0x94: {  	[sflag:s0] =	ssyncset.done $0x0  }
0x95: {  	p2 =	seq.s32 s18, $0x7  }
.Ltmp2:
0x96: {  	_ = 	snop;
	(pc) =	sbr.rel @p2 .LBB2_10-.Ltmp2, $2  }
0x97: {  	_ =	sdelay $0x2  }
0x98: {  	[sflag:s0] =	ssyncadd.s32 $0xFFFFFF80;
	s21 =	sadd.s32 $0x1, s18  }
0x99: {  	v8 =	vld [tilespmem:s19+$0x0];
	_ =	sdelay $0x4  }
0x9a: {  	v8 =	vshll.u32 v8, $0x4  }
0x9b: {  	(v2sf) =	vpush v8, $0x0  }
0x9c: {  	(v2sf) =	vpush v8, $0x2  }
0x9d: {  	s0 =	sand.u32 $0x1, s21;
	s26 =	simm.s32 $0x0;
	(v2sf) =	vpush v8, $0x1  }
0x9e: {  	s28 =	sadd.s32 $0x10, s19;
	s24 =	simm.s32 $0x2000;
	s29 =	simm.s32 $0x4000;
	(v2sf) =	vpush v8, $0x3  }
0x9f: {  	s23 =	sadd.s32 $0x1, s0;
	s0 =	rddreg [dreg:$0x6];
	s25 =	smov.u32 s28;
	(v2sf) =	vpush v8, $0x4  }
.LBB2_8:
0xa0: {  	_ =	sdelay $0x3  }
0xa1: {  	(v2sf) =	vpush v8, $0x5  }
0xa2: {  	s2 =	sshra.s32 s26, $0x2  }
0xa3: {  	s1 =	smov.u32 s29;
	s30 =	sadd.s32 s2, s0;
	(v2sf) =	vpush v8, $0x6  }
0xa4: {  	s26 =	smov.u32 s24;
	s24 =	smov.u32 s1;
	s12 =	sadd.s32 $0x80, s30  }
0xa5: {  	s2 =	sadd.s32 $0x580, s30;
	s0 =	sadd.s32 $0x600, s30;
	s31 =	sadd.s32 $0x680, s30;
	(v2sf) =	vpush v8, $0x7  }
0xa6: {  	s4 =	sadd.s32 $0x400, s30;
	s3 =	sadd.s32 $0x480, s30;
	s1 =	sadd.s32 $0x500, s30  }
0xa7: {  	s14 =	sadd.s32 $0x300, s30;
	s11 =	sadd.s32 $0x380, s30;
	s15 =	spop (v2sf);
	(v2sf) =	vpush v8, $0x8  }
0xa8: {  	s16 =	sadd.s32 $0x100, s30;
	s15 =	sand.u32 $0x1FFFFFF0, s15;
	s9 =	spop (v2sf)  }
0xa9: {  	s10 =	sadd.s32 $0x280, s30;
	s15 =	sadd.s32 s6, s15;
	s17 =	spop (v2sf);
	(v2sf) =	vpush v8, $0x9  }
0xaa: {  	[tilespmem:s30], [sflag:s23] =	stream.linear.gather [hbm4b:s15+s5], $0x80, $0x38;
	[tilespmem:$0x15700] =	vst v63  }
0xab: {  	s7 =	sadd.s32 $0x200, s30;
	s8 =	sand.u32 $0x1FFFFFF0, s17;
	s17 =	spop (v2sf);
	(v2sf) =	vpush v8, $0xA  }
0xac: {  	s9 =	sand.u32 $0x1FFFFFF0, s9;
	s15 =	sadd.s32 s6, s8;
	s8 =	spop (v2sf)  }
0xad: {  	(v2sf) =	vpush v8, $0xB;
	[tilespmem:s12], [sflag:s23] =	stream.linear.gather [hbm4b:s15+s5], $0x80, $0x38;
	[tilespmem:$0x15700] =	vst v63  }
0xae: {  	s9 =	sadd.s32 s6, s9;
	s15 =	sand.u32 $0x1FFFFFF0, s17;
	s8 =	sand.u32 $0x1FFFFFF0, s8  }
0xaf: {  	(v2sf) =	vpush v8, $0xC;
	[tilespmem:s16], [sflag:s23] =	stream.linear.gather [hbm4b:s9+s5], $0x80, $0x38;
	[tilespmem:$0x15700] =	vst v63  }
0xb0: {  	s17 =	spop (v2sf);
	s12 =	sadd.s32 s6, s15;
	s16 =	sadd.s32 $0x180, s30  }
0xb1: {  	(v2sf) =	vpush v8, $0xD;
	[tilespmem:s16], [sflag:s23] =	stream.linear.gather [hbm4b:s12+s5], $0x80, $0x38;
	[tilespmem:$0x15700] =	vst v63  }
0xb2: {  	s8 =	sadd.s32 s6, s8;
	s16 =	sand.u32 $0x1FFFFFF0, s17;
	s17 =	spop (v2sf)  }
0xb3: {  	(v2sf) =	vpush v8, $0xE;
	[tilespmem:s7], [sflag:s23] =	stream.linear.gather [hbm4b:s8+s5], $0x80, $0x38;
	[tilespmem:$0x15700] =	vst v63  }
0xb4: {  	s15 =	sadd.s32 s6, s16;
	s16 =	sand.u32 $0x1FFFFFF0, s17;
	s17 =	spop (v2sf)  }
0xb5: {  	(v2sf) =	vpush v8, $0xF;
	[tilespmem:s10], [sflag:s23] =	stream.linear.gather [hbm4b:s15+s5], $0x80, $0x38;
	[tilespmem:$0x15700] =	vst v63  }
0xb6: {  	s8 =	sadd.s32 s6, s16;
	s10 =	sand.u32 $0x1FFFFFF0, s17;
	s12 =	spop (v2sf)  }
0xb7: {  	[tilespmem:s14], [sflag:s23] =	stream.linear.gather [hbm4b:s8+s5], $0x80, $0x38;
	[tilespmem:$0x15700] =	vst v63  }
0xb8: {  	s15 =	sadd.s32 s6, s10;
	s16 =	sand.u32 $0x1FFFFFF0, s12;
	s17 =	spop (v2sf)  }
0xb9: {  	[tilespmem:s11], [sflag:s23] =	stream.linear.gather [hbm4b:s15+s5], $0x80, $0x38;
	[tilespmem:$0x15700] =	vst v63  }
0xba: {  	s8 =	sadd.s32 s6, s16;
	s9 =	sand.u32 $0x1FFFFFF0, s17;
	s10 =	spop (v2sf)  }
0xbb: {  	[tilespmem:s4], [sflag:s23] =	stream.linear.gather [hbm4b:s8+s5], $0x80, $0x38;
	[tilespmem:$0x15700] =	vst v63  }
0xbc: {  	s11 =	sadd.s32 s6, s9;
	s12 =	sand.u32 $0x1FFFFFF0, s10;
	s14 =	spop (v2sf)  }
0xbd: {  	[tilespmem:s3], [sflag:s23] =	stream.linear.gather [hbm4b:s11+s5], $0x80, $0x38;
	[tilespmem:$0x15700] =	vst v63  }
0xbe: {  	s15 =	sadd.s32 s6, s12;
	s16 =	sand.u32 $0x1FFFFFF0, s14;
	s17 =	spop (v2sf)  }
0xbf: {  	[tilespmem:s1], [sflag:s23] =	stream.linear.gather [hbm4b:s15+s5], $0x80, $0x38;
	[tilespmem:$0x15700] =	vst v63  }
0xc0: {  	s4 =	sadd.s32 s6, s16;
	s8 =	sand.u32 $0x1FFFFFF0, s17;
	s9 =	spop (v2sf)  }
0xc1: {  	[tilespmem:s2], [sflag:s23] =	stream.linear.gather [hbm4b:s4+s5], $0x80, $0x38;
	[tilespmem:$0x15700] =	vst v63  }
0xc2: {  	s10 =	sadd.s32 s6, s8;
	s11 =	sand.u32 $0x1FFFFFF0, s9;
	s12 =	spop (v2sf)  }
0xc3: {  	[tilespmem:s0], [sflag:s23] =	stream.linear.gather [hbm4b:s10+s5], $0x80, $0x38;
	[tilespmem:$0x15700] =	vst v63  }
0xc4: {  	s14 =	sadd.s32 s6, s11;
	s15 =	sand.u32 $0x1FFFFFF0, s12;
	s16 =	spop (v2sf)  }
0xc5: {  	[tilespmem:s31], [sflag:s23] =	stream.linear.gather [hbm4b:s14+s5], $0x80, $0x38;
	[tilespmem:$0x15700] =	vst v63  }
0xc6: {  	s17 =	sadd.s32 $0x700, s30;
	s1 =	sadd.s32 s6, s15;
	s2 =	sand.u32 $0x1FFFFFF0, s16  }
0xc7: {  	[tilespmem:s17], [sflag:s23] =	stream.linear.gather [hbm4b:s1+s5], $0x80, $0x38;
	[tilespmem:$0x15700] =	vst v63  }
0xc8: {  	s30 =	sadd.s32 $0x780, s30;
	s31 =	sadd.s32 s6, s2  }
0xc9: {  	[tilespmem:s30], [sflag:s23] =	stream.linear.gather [hbm4b:s31+s5], $0x80, $0x38;
	[tilespmem:$0x15700] =	vst v63  }
0xca: {  	v8 =	vld [tilespmem:s25+$0x0];
	_ =	sdelay $0x4  }
0xcb: {  	p2 =	sne.s32 s29, $0x26000;
	v8 =	vshll.u32 v8, $0x4  }
.Ltmp3:
0xcc: {  	(v2sf) =	vpush v8, $0x0;
	(pc) =	sbr.rel @p2 .LBB2_8-.Ltmp3, $4  }
0xcd: {  	(v2sf) =	vpush v8, $0x2  }
0xce: {  	(v2sf) =	vpush v8, $0x1  }
0xcf: {  	s28 =	sadd.s32 $0x10, s28;
	(v2sf) =	vpush v8, $0x3  }
0xd0: {  	s29 =	sadd.s32 $0x2000, s29;
	s0 =	rddreg [dreg:$0x6];
	s25 =	smov.u32 s28;
	(v2sf) =	vpush v8, $0x4  }
0xd1: {  	_ =	sdelay $0x3  }
0xd2: {  	(v2sf) =	vpush v8, $0x5  }
0xd3: {  	s1 =	sshra.s32 s26, $0x2  }
0xd4: {  	s0 =	sadd.s32 s1, s0;
	(v2sf) =	vpush v8, $0x6  }
0xd5: {  	s4 =	sadd.s32 $0x80, s0  }
0xd6: {  	s3 =	sadd.s32 $0x580, s0;
	s2 =	sadd.s32 $0x600, s0;
	s1 =	sadd.s32 $0x680, s0;
	(v2sf) =	vpush v8, $0x7  }
0xd7: {  	s7 =	sadd.s32 $0x400, s0;
	s8 =	sadd.s32 $0x480, s0;
	s9 =	sadd.s32 $0x500, s0  }
0xd8: {  	s10 =	sadd.s32 $0x300, s0;
	s11 =	sadd.s32 $0x380, s0;
	s12 =	spop (v2sf);
	(v2sf) =	vpush v8, $0x8  }
0xd9: {  	s14 =	sadd.s32 $0x100, s0;
	s12 =	sand.u32 $0x1FFFFFF0, s12;
	s15 =	spop (v2sf)  }
0xda: {  	s16 =	sadd.s32 $0x280, s0;
	s12 =	sadd.s32 s6, s12;
	s17 =	spop (v2sf);
	(v2sf) =	vpush v8, $0x9  }
0xdb: {  	[tilespmem:s0], [sflag:s23] =	stream.linear.gather [hbm4b:s12+s5], $0x80, $0x38;
	[tilespmem:$0x15700] =	vst v63  }
0xdc: {  	s26 =	sadd.s32 $0x200, s0;
	s30 =	sand.u32 $0x1FFFFFF0, s17;
	s31 =	spop (v2sf);
	(v2sf) =	vpush v8, $0xA  }
0xdd: {  	s15 =	sand.u32 $0x1FFFFFF0, s15;
	s12 =	sadd.s32 s6, s30;
	s28 =	spop (v2sf)  }
0xde: {  	(v2sf) =	vpush v8, $0xB;
	[tilespmem:s4], [sflag:s23] =	stream.linear.gather [hbm4b:s12+s5], $0x80, $0x38;
	[tilespmem:$0x15700] =	vst v63  }
0xdf: {  	s29 =	sadd.s32 s6, s15;
	s17 =	sadd.s32 $0x180, s0;
	s30 =	sand.u32 $0x1FFFFFF0, s31  }
0xe0: {  	(v2sf) =	vpush v8, $0xC;
	[tilespmem:s14], [sflag:s23] =	stream.linear.gather [hbm4b:s29+s5], $0x80, $0x38;
	[tilespmem:$0x15700] =	vst v63  }
0xe1: {  	s31 =	sand.u32 $0x1FFFFFF0, s28;
	s12 =	sadd.s32 s6, s30;
	s28 =	spop (v2sf)  }
0xe2: {  	(v2sf) =	vpush v8, $0xD;
	[tilespmem:s17], [sflag:s23] =	stream.linear.gather [hbm4b:s12+s5], $0x80, $0x38;
	[tilespmem:$0x15700] =	vst v63  }
0xe3: {  	s30 =	sand.u32 $0x1FFFFFF0, s28;
	s29 =	sadd.s32 s6, s31;
	s31 =	spop (v2sf)  }
0xe4: {  	(v2sf) =	vpush v8, $0xE;
	[tilespmem:s26], [sflag:s23] =	stream.linear.gather [hbm4b:s29+s5], $0x80, $0x38;
	[tilespmem:$0x15700] =	vst v63  }
0xe5: {  	s14 =	sand.u32 $0x1FFFFFF0, s31;
	s15 =	spop (v2sf);
	s12 =	sadd.s32 s6, s30  }
0xe6: {  	(v2sf) =	vpush v8, $0xF;
	[tilespmem:s16], [sflag:s23] =	stream.linear.gather [hbm4b:s12+s5], $0x80, $0x38;
	[tilespmem:$0x15700] =	vst v63  }
0xe7: {  	s17 =	sadd.s32 s6, s14;
	s26 =	sand.u32 $0x1FFFFFF0, s15;
	s28 =	spop (v2sf)  }
0xe8: {  	[tilespmem:s10], [sflag:s23] =	stream.linear.gather [hbm4b:s17+s5], $0x80, $0x38;
	[tilespmem:$0x15700] =	vst v63  }
0xe9: {  	s29 =	sadd.s32 s6, s26;
	s30 =	sand.u32 $0x1FFFFFF0, s28;
	s31 =	spop (v2sf)  }
0xea: {  	[tilespmem:s11], [sflag:s23] =	stream.linear.gather [hbm4b:s29+s5], $0x80, $0x38;
	[tilespmem:$0x15700] =	vst v63  }
0xeb: {  	s10 =	sadd.s32 s6, s30;
	s11 =	sand.u32 $0x1FFFFFF0, s31;
	s12 =	spop (v2sf)  }
0xec: {  	[tilespmem:s7], [sflag:s23] =	stream.linear.gather [hbm4b:s10+s5], $0x80, $0x38;
	[tilespmem:$0x15700] =	vst v63  }
0xed: {  	s14 =	sadd.s32 s6, s11;
	s15 =	sand.u32 $0x1FFFFFF0, s12;
	s16 =	spop (v2sf)  }
0xee: {  	[tilespmem:s8], [sflag:s23] =	stream.linear.gather [hbm4b:s14+s5], $0x80, $0x38;
	[tilespmem:$0x15700] =	vst v63  }
0xef: {  	s17 =	sadd.s32 s6, s15;
	s26 =	sand.u32 $0x1FFFFFF0, s16;
	s28 =	spop (v2sf)  }
0xf0: {  	[tilespmem:s9], [sflag:s23] =	stream.linear.gather [hbm4b:s17+s5], $0x80, $0x38;
	[tilespmem:$0x15700] =	vst v63  }
0xf1: {  	s29 =	sadd.s32 s6, s26;
	s30 =	sand.u32 $0x1FFFFFF0, s28;
	s31 =	spop (v2sf)  }
0xf2: {  	[tilespmem:s3], [sflag:s23] =	stream.linear.gather [hbm4b:s29+s5], $0x80, $0x38;
	[tilespmem:$0x15700] =	vst v63  }
0xf3: {  	s7 =	sadd.s32 s6, s30;
	s8 =	sand.u32 $0x1FFFFFF0, s31;
	s9 =	spop (v2sf)  }
0xf4: {  	[tilespmem:s2], [sflag:s23] =	stream.linear.gather [hbm4b:s7+s5], $0x80, $0x38;
	[tilespmem:$0x15700] =	vst v63  }
0xf5: {  	s10 =	sadd.s32 s6, s8;
	s11 =	sand.u32 $0x1FFFFFF0, s9;
	s12 =	spop (v2sf)  }
0xf6: {  	[tilespmem:s1], [sflag:s23] =	stream.linear.gather [hbm4b:s10+s5], $0x80, $0x38;
	[tilespmem:$0x15700] =	vst v63  }
0xf7: {  	s14 =	sadd.s32 $0x700, s0;
	s15 =	sadd.s32 s6, s11;
	s16 =	sand.u32 $0x1FFFFFF0, s12  }
0xf8: {  	[tilespmem:s14], [sflag:s23] =	stream.linear.gather [hbm4b:s15+s5], $0x80, $0x38;
	[tilespmem:$0x15700] =	vst v63  }
0xf9: {  	s0 =	sadd.s32 $0x780, s0;
	s17 =	sadd.s32 s6, s16  }
0xfa: {  	[tilespmem:s0], [sflag:s23] =	stream.linear.gather [hbm4b:s17+s5], $0x80, $0x38;
	[tilespmem:$0x15700] =	vst v63  }
0xfb: {  	v8 =	vld [tilespmem:s25+$0x0];
	_ =	sdelay $0x4  }
0xfc: {  	v8 =	vshll.u32 v8, $0x4  }
0xfd: {  	(v2sf) =	vpush v8, $0x0  }
0xfe: {  	(v2sf) =	vpush v8, $0x2  }
0xff: {  	(v2sf) =	vpush v8, $0x1;
	_ =	sdelay $0x1  }
0x100: {  	(v2sf) =	vpush v8, $0x3  }
0x101: {  	(v2sf) =	vpush v8, $0x4;
	_ =	sdelay $0x3  }
0x102: {  	(v2sf) =	vpush v8, $0x5;
	_ =	sdelay $0x1  }
0x103: {  	s26 =	rddreg [dreg:$0x6];
	s28 =	sshra.s32 s24, $0x2;
	(v2sf) =	vpush v8, $0x6  }
0x104: {  	s0 =	sadd.s32 s28, s26  }
0x105: {  	s29 =	sadd.s32 $0x80, s0;
	s3 =	sadd.s32 $0x580, s0;
	(v2sf) =	vpush v8, $0x7  }
0x106: {  	s2 =	sadd.s32 $0x600, s0;
	s1 =	sadd.s32 $0x680, s0;
	s7 =	sadd.s32 $0x400, s0  }
0x107: {  	s8 =	sadd.s32 $0x480, s0;
	s10 =	sadd.s32 $0x300, s0;
	s30 =	spop (v2sf);
	(v2sf) =	vpush v8, $0x8  }
0x108: {  	s14 =	sadd.s32 $0x100, s0;
	s12 =	sand.u32 $0x1FFFFFF0, s30;
	s31 =	spop (v2sf)  }
0x109: {  	s16 =	sadd.s32 $0x280, s0;
	(v2sf) =	vpush v8, $0x9;
	s12 =	sadd.s32 s6, s12;
	s24 =	spop (v2sf)  }
0x10a: {  	[tilespmem:s0], [sflag:s23] =	stream.linear.gather [hbm4b:s12+s5], $0x80, $0x38;
	[tilespmem:$0x15700] =	vst v63  }
0x10b: {  	s15 =	sand.u32 $0x1FFFFFF0, s31;
	s25 =	sand.u32 $0x1FFFFFF0, s24;
	s26 =	spop (v2sf)  }
0x10c: {  	(v2sf) =	vpush v8, $0xA;
	s24 =	sadd.s32 $0x200, s0;
	s12 =	sadd.s32 s6, s25;
	s28 =	spop (v2sf)  }
0x10d: {  	[tilespmem:s29], [sflag:s23] =	stream.linear.gather [hbm4b:s12+s5], $0x80, $0x38;
	[tilespmem:$0x15700] =	vst v63  }
0x10e: {  	(v2sf) =	vpush v8, $0xB;
	s30 =	sand.u32 $0x1FFFFFF0, s26;
	s29 =	sadd.s32 s6, s15;
	s31 =	sand.u32 $0x1FFFFFF0, s28  }
0x10f: {  	[tilespmem:s14], [sflag:s23] =	stream.linear.gather [hbm4b:s29+s5], $0x80, $0x38;
	[tilespmem:$0x15700] =	vst v63  }
0x110: {  	(v2sf) =	vpush v8, $0xC;
	s12 =	sadd.s32 s6, s30;
	s17 =	spop (v2sf);
	s14 =	sadd.s32 $0x180, s0  }
0x111: {  	[tilespmem:s14], [sflag:s23] =	stream.linear.gather [hbm4b:s12+s5], $0x80, $0x38;
	[tilespmem:$0x15700] =	vst v63  }
0x112: {  	(v2sf) =	vpush v8, $0xD;
	s25 =	sadd.s32 s6, s31;
	s26 =	sand.u32 $0x1FFFFFF0, s17;
	s28 =	spop (v2sf)  }
0x113: {  	[tilespmem:s24], [sflag:s23] =	stream.linear.gather [hbm4b:s25+s5], $0x80, $0x38;
	[tilespmem:$0x15700] =	vst v63  }
0x114: {  	(v2sf) =	vpush v8, $0xE;
	s29 =	sadd.s32 s6, s26;
	s30 =	sand.u32 $0x1FFFFFF0, s28;
	s31 =	spop (v2sf)  }
0x115: {  	[tilespmem:s16], [sflag:s23] =	stream.linear.gather [hbm4b:s29+s5], $0x80, $0x38;
	[tilespmem:$0x15700] =	vst v63  }
0x116: {  	(v2sf) =	vpush v8, $0xF;
	s12 =	sadd.s32 s6, s30;
	s14 =	sand.u32 $0x1FFFFFF0, s31;
	s15 =	spop (v2sf)  }
0x117: {  	[tilespmem:s10], [sflag:s23] =	stream.linear.gather [hbm4b:s12+s5], $0x80, $0x38;
	[tilespmem:$0x15700] =	vst v63  }
0x118: {  	s11 =	sadd.s32 $0x380, s0;
	s16 =	sadd.s32 s6, s14;
	s24 =	spop (v2sf)  }
0x119: {  	[tilespmem:s11], [sflag:s23] =	stream.linear.gather [hbm4b:s16+s5], $0x80, $0x38;
	[tilespmem:$0x15700] =	vst v63  }
0x11a: {  	s9 =	sadd.s32 $0x500, s0;
	s17 =	sand.u32 $0x1FFFFFF0, s15;
	s26 =	sand.u32 $0x1FFFFFF0, s24  }
0x11b: {  	s25 =	sadd.s32 s6, s17;
	s28 =	spop (v2sf);
	s29 =	sadd.s32 s6, s26  }
0x11c: {  	[tilespmem:s7], [sflag:s23] =	stream.linear.gather [hbm4b:s25+s5], $0x80, $0x38;
	[tilespmem:$0x15700] =	vst v63  }
0x11d: {  	s30 =	sand.u32 $0x1FFFFFF0, s28;
	s31 =	spop (v2sf);
	s28 =	sadd.s32 $0x700, s0  }
0x11e: {  	[tilespmem:s8], [sflag:s23] =	stream.linear.gather [hbm4b:s29+s5], $0x80, $0x38;
	[tilespmem:$0x15700] =	vst v63  }
0x11f: {  	s7 =	sadd.s32 s6, s30;
	s10 =	spop (v2sf);
	s8 =	sand.u32 $0x1FFFFFF0, s31  }
0x120: {  	[tilespmem:s9], [sflag:s23] =	stream.linear.gather [hbm4b:s7+s5], $0x80, $0x38;
	[tilespmem:$0x15700] =	vst v63  }
0x121: {  	s12 =	sand.u32 $0x1FFFFFF0, s10;
	s14 =	spop (v2sf);
	s11 =	sadd.s32 s6, s8  }
0x122: {  	[tilespmem:s3], [sflag:s23] =	stream.linear.gather [hbm4b:s11+s5], $0x80, $0x38;
	[tilespmem:$0x15700] =	vst v63  }
0x123: {  	s15 =	sadd.s32 s6, s12;
	s16 =	sand.u32 $0x1FFFFFF0, s14;
	s17 =	spop (v2sf)  }
0x124: {  	[tilespmem:s2], [sflag:s23] =	stream.linear.gather [hbm4b:s15+s5], $0x80, $0x38;
	[tilespmem:$0x15700] =	vst v63  }
0x125: {  	s24 =	sadd.s32 s6, s16;
	s25 =	sand.u32 $0x1FFFFFF0, s17;
	s26 =	spop (v2sf)  }
0x126: {  	[tilespmem:s1], [sflag:s23] =	stream.linear.gather [hbm4b:s24+s5], $0x80, $0x38;
	[tilespmem:$0x15700] =	vst v63  }
0x127: {  	s0 =	sadd.s32 $0x780, s0;
	s29 =	sadd.s32 s6, s25;
	s30 =	sand.u32 $0x1FFFFFF0, s26  }
0x128: {  	[tilespmem:s28], [sflag:s23] =	stream.linear.gather [hbm4b:s29+s5], $0x80, $0x38;
	[tilespmem:$0x15700] =	vst v63  }
0x129: {  	s8 =	rddreg [dreg:$0x7];
	s9 =	simm.s32 $0x3;
	s31 =	sadd.s32 s6, s30  }
0x12a: {  	[tilespmem:s0], [sflag:s23] =	stream.linear.gather [hbm4b:s31+s5], $0x80, $0x38;
	[tilespmem:$0x15700] =	vst v63  }
.LBB2_10:
0x12b: {  	s0 =	smul.u32 $0x28000, s22;
	_ =	sdelay $0x1  }
0x12c: {  	s0 =	sshrl.u32 s0, $0x2  }
0x12d: {  	s24 =	simm.s32 $0xFFFFFFFC;
	s22 =	sor.u32 $0xA00, s0  }
.LBB2_11:
0x12e: {  	s25 =	smul.u32 $0xCCCD, s24;
	_ =	sdelay $0x1  }
0x12f: {  	s0 =	sadd.s32 $0x33334, s25  }
0x130: {  	s0 =	sshrl.u32 s0, $0x14  }
0x131: {  	s0 =	smul.u32 $0x14, s0  }
0x132: {  	s23 =	sadd.s32 $0x4, s24  }
0x133: {  	s0 =	ssub.s32 s23, s0  }
0x134: {  	v8 =	vld [tilespmem:s20+$0xFFFFFF00];
	s0 =	sshll.u32 s0, $0x7  }
0x135: {  	v10 =	vld [tilespmem:s20+$0xFFFFFF10];
	s0 =	sand.u32 $0xFF80, s0  }
0x136: {  	v9 =	vld [tilespmem:s0+$0x14A00]  }
0x137: {  	v11 =	vld [tilespmem:s0+$0x14A10]  }
0x138: {  	v12 =	vld [tilespmem:s20+$0xFFFFFF20]  }
0x139: {  	v13 =	vld [tilespmem:s0+$0x14A20]  }
0x13a: {  	v14 =	vld [tilespmem:s20+$0xFFFFFF30]  }
0x13b: {  	v15 =	vld [tilespmem:s0+$0x14A30]  }
0x13c: {  	v8 =	vadd.f32 v9, v8;
	v42 =	vadd.f32 v11, v10;
	_ =	sdelay $0x1  }
0x13d: {  	v43 =	vadd.f32 v13, v12;
	v11 =	vadd.f32 v42, v8;
	_ =	sdelay $0x1  }
0x13e: {  	v44 =	vadd.f32 v15, v14;
	v11 =	vadd.f32 v43, v11;
	_ =	sdelay $0x1  }
0x13f: {  	v11 =	vadd.f32 v44, v11;
	_ =	sdelay $0x1  }
0x140: {  	(xrf2) =	vadd.scan.msk.f32 $0xffff, v11;
	_ =	sdelay $0x9  }
0x141: {  	v11, _, _ =	vpop (xrf2)  }
0x142: {  	v11 =	vmul.f32 $1.562500000e-02, v11;
	_ =	sdelay $0x1  }
0x143: {  	v11 =	vbroadcast v11, $0xF;
	_ =	sdelay $0x1  }
0x144: {  	v8 =	vsub.f32 v8, v11;
	v9 =	vsub.f32 v42, v11;
	_ =	sdelay $0x1  }
0x145: {  	v10 =	vsub.f32 v43, v11;
	v45 =	vmul.f32 v8, v8;
	v46 =	vmul.f32 v9, v9;
	_ =	sdelay $0x1  }
0x146: {  	v11 =	vsub.f32 v44, v11;
	v48 =	vmul.f32 v10, v10;
	v47 =	vadd.f32 v46, v45;
	_ =	sdelay $0x1  }
0x147: {  	v49 =	vmul.f32 v11, v11;
	v12 =	vadd.f32 v47, v48;
	_ =	sdelay $0x1  }
0x148: {  	v12 =	vadd.f32 v12, v49;
	_ =	sdelay $0x1  }
0x149: {  	(xrf2) =	vadd.scan.msk.f32 $0xffff, v12;
	_ =	sdelay $0x9  }
0x14a: {  	v12, _, _ =	vpop (xrf2)  }
0x14b: {  	v12 =	vmul.f32 $1.562500000e-02, v12;
	_ =	sdelay $0x1  }
0x14c: {  	v12 =	vadd.f32 $9.999999740e-06, v12;
	_ =	sdelay $0x1  }
0x14d: {  	v12 =	vbroadcast v12, $0xF;
	_ =	sdelay $0x1  }
0x14e: {  	v50 =	vshrl.u32 v12, $0x1;
	v12 =	vmul.f32 $-5.000000000e-01, v12  }
0x14f: {  	v13 =	vsub.s32 $0x5F3759DF, v50  }
0x150: {  	v51 =	vmul.f32 v13, v12;
	_ =	sdelay $0x1  }
0x151: {  	v14 =	vmul.f32 v13, v51;
	_ =	sdelay $0x1  }
0x152: {  	v14 =	vadd.f32 $1.500000000e+00, v14;
	_ =	sdelay $0x1  }
0x153: {  	v13 =	vmul.f32 v13, v14;
	_ =	sdelay $0x1  }
0x154: {  	v14 =	vmul.f32 v13, v12;
	_ =	sdelay $0x1  }
0x155: {  	v14 =	vmul.f32 v14, v13;
	_ =	sdelay $0x1  }
0x156: {  	v14 =	vadd.f32 $1.500000000e+00, v14;
	_ =	sdelay $0x1  }
0x157: {  	v13 =	vmul.f32 v14, v13;
	_ =	sdelay $0x1  }
0x158: {  	v12 =	vmul.f32 v13, v12;
	_ =	sdelay $0x1  }
0x159: {  	v12 =	vmul.f32 v12, v13;
	_ =	sdelay $0x1  }
0x15a: {  	v12 =	vadd.f32 $1.500000000e+00, v12;
	_ =	sdelay $0x1  }
0x15b: {  	v12 =	vmul.f32 v12, v13;
	_ =	sdelay $0x1  }
0x15c: {  	v13 =	vmul.f32 v12, v0  }
0x15d: {  	v52 =	vmul.f32 v12, v1;
	v53 =	vmul.f32 v12, v2  }
0x15e: {  	s29 =	sadd.s32 $0x40001, s25;
	v12 =	vmul.f32 v12, v3;
	v8 =	vmul.f32 v13, v8  }
0x15f: {  	s0 =	sshrl.u32 s29, $0x14;
	v9 =	vmul.f32 v52, v9  }
0x160: {  	s0 =	smul.u32 $0x14, s0;
	v11 =	vmul.f32 v12, v11;
	v8 =	vadd.f32 v8, v4  }
0x161: {  	v10 =	vmul.f32 v53, v10;
	v9 =	vadd.f32 v9, v5  }
0x162: {  	s0 =	ssub.s32 s24, s0;
	v54 =	vadd.f32 v11, v7;
	[tilespmem:s20+$0xFFFFFF00] =	vst v8  }
0x163: {  	s0 =	sshll.u32 s0, $0x7;
	v8 =	vadd.f32 v10, v6;
	[tilespmem:s20+$0xFFFFFF10] =	vst v9  }
0x164: {  	v55 =	vld [tilespmem:s20+$0xFFFFFF90];
	s0 =	sadd.s32 $0x280, s0;
	[tilespmem:s20+$0xFFFFFF30] =	vst v54  }
0x165: {  	s0 =	sand.u32 $0xFF80, s0;
	[tilespmem:s20+$0xFFFFFF20] =	vst v8;
	v8 =	vld [tilespmem:s20+$0xFFFFFF80]  }
0x166: {  	v9 =	vld [tilespmem:s0+$0x14A00]  }
0x167: {  	v56 =	vld [tilespmem:s0+$0x14A10]  }
0x168: {  	v57 =	vld [tilespmem:s20+$0xFFFFFFA0]  }
0x169: {  	v58 =	vld [tilespmem:s0+$0x14A20]  }
0x16a: {  	v59 =	vld [tilespmem:s20+$0xFFFFFFB0]  }
0x16b: {  	v60 =	vld [tilespmem:s0+$0x14A30]  }
0x16c: {  	v8 =	vadd.f32 v9, v8;
	v61 =	vadd.f32 v56, v55;
	_ =	sdelay $0x1  }
0x16d: {  	v62 =	vadd.f32 v58, v57;
	v11 =	vadd.f32 v61, v8;
	_ =	sdelay $0x1  }
0x16e: {  	v63 =	vadd.f32 v60, v59;
	v11 =	vadd.f32 v62, v11;
	_ =	sdelay $0x1  }
0x16f: {  	v11 =	vadd.f32 v63, v11;
	_ =	sdelay $0x1  }
0x170: {  	(xrf2) =	vadd.scan.msk.f32 $0xffff, v11;
	_ =	sdelay $0x9  }
0x171: {  	v11, _, _ =	vpop (xrf2)  }
0x172: {  	v11 =	vmul.f32 $1.562500000e-02, v11;
	_ =	sdelay $0x1  }
0x173: {  	v11 =	vbroadcast v11, $0xF;
	_ =	sdelay $0x1  }
0x174: {  	v8 =	vsub.f32 v8, v11;
	v9 =	vsub.f32 v61, v11;
	_ =	sdelay $0x1  }
0x175: {  	v10 =	vsub.f32 v62, v11;
	v16 =	vmul.f32 v8, v8;
	v17 =	vmul.f32 v9, v9;
	_ =	sdelay $0x1  }
0x176: {  	v11 =	vsub.f32 v63, v11;
	v19 =	vmul.f32 v10, v10;
	v18 =	vadd.f32 v17, v16;
	_ =	sdelay $0x1  }
0x177: {  	v20 =	vmul.f32 v11, v11;
	v12 =	vadd.f32 v18, v19;
	_ =	sdelay $0x1  }
0x178: {  	v12 =	vadd.f32 v12, v20;
	_ =	sdelay $0x1  }
0x179: {  	(xrf2) =	vadd.scan.msk.f32 $0xffff, v12;
	_ =	sdelay $0x9  }
0x17a: {  	v12, _, _ =	vpop (xrf2)  }
0x17b: {  	v12 =	vmul.f32 $1.562500000e-02, v12;
	_ =	sdelay $0x1  }
0x17c: {  	v12 =	vadd.f32 $9.999999740e-06, v12;
	_ =	sdelay $0x1  }
0x17d: {  	v12 =	vbroadcast v12, $0xF;
	_ =	sdelay $0x1  }
0x17e: {  	v21 =	vshrl.u32 v12, $0x1;
	v12 =	vmul.f32 $-5.000000000e-01, v12  }
0x17f: {  	v13 =	vsub.s32 $0x5F3759DF, v21  }
0x180: {  	v22 =	vmul.f32 v13, v12;
	_ =	sdelay $0x1  }
0x181: {  	v14 =	vmul.f32 v13, v22;
	_ =	sdelay $0x1  }
0x182: {  	v14 =	vadd.f32 $1.500000000e+00, v14;
	_ =	sdelay $0x1  }
0x183: {  	v13 =	vmul.f32 v13, v14;
	_ =	sdelay $0x1  }
0x184: {  	v14 =	vmul.f32 v13, v12;
	_ =	sdelay $0x1  }
0x185: {  	v14 =	vmul.f32 v14, v13;
	_ =	sdelay $0x1  }
0x186: {  	v14 =	vadd.f32 $1.500000000e+00, v14;
	_ =	sdelay $0x1  }
0x187: {  	v13 =	vmul.f32 v14, v13;
	_ =	sdelay $0x1  }
0x188: {  	v12 =	vmul.f32 v13, v12;
	_ =	sdelay $0x1  }
0x189: {  	v12 =	vmul.f32 v12, v13;
	_ =	sdelay $0x1  }
0x18a: {  	v12 =	vadd.f32 $1.500000000e+00, v12;
	_ =	sdelay $0x1  }
0x18b: {  	v12 =	vmul.f32 v12, v13;
	_ =	sdelay $0x1  }
0x18c: {  	v13 =	vmul.f32 v12, v0  }
0x18d: {  	v23 =	vmul.f32 v12, v1;
	v24 =	vmul.f32 v12, v2  }
0x18e: {  	s30 =	sadd.s32 $0x4CCCE, s25;
	v12 =	vmul.f32 v12, v3;
	v8 =	vmul.f32 v13, v8  }
0x18f: {  	s0 =	sshrl.u32 s30, $0x14;
	v9 =	vmul.f32 v23, v9  }
0x190: {  	s0 =	smul.u32 $0x14, s0;
	v11 =	vmul.f32 v12, v11;
	v8 =	vadd.f32 v8, v4  }
0x191: {  	v10 =	vmul.f32 v24, v10;
	v9 =	vadd.f32 v9, v5  }
0x192: {  	s0 =	ssub.s32 s24, s0;
	v25 =	vadd.f32 v11, v7;
	[tilespmem:s20+$0xFFFFFF80] =	vst v8  }
0x193: {  	s0 =	sshll.u32 s0, $0x7;
	v8 =	vadd.f32 v10, v6;
	[tilespmem:s20+$0xFFFFFF90] =	vst v9  }
0x194: {  	v26 =	vld [tilespmem:s20+$0x10];
	s0 =	sadd.s32 $0x300, s0;
	[tilespmem:s20+$0xFFFFFFB0] =	vst v25  }
0x195: {  	s0 =	sand.u32 $0xFF80, s0;
	[tilespmem:s20+$0xFFFFFFA0] =	vst v8;
	v8 =	vld [tilespmem:s20+$0x0]  }
0x196: {  	v9 =	vld [tilespmem:s0+$0x14A00]  }
0x197: {  	v27 =	vld [tilespmem:s0+$0x14A10]  }
0x198: {  	v28 =	vld [tilespmem:s20+$0x20]  }
0x199: {  	v29 =	vld [tilespmem:s0+$0x14A20]  }
0x19a: {  	v30 =	vld [tilespmem:s20+$0x30]  }
0x19b: {  	v31 =	vld [tilespmem:s0+$0x14A30]  }
0x19c: {  	v8 =	vadd.f32 v9, v8;
	v32 =	vadd.f32 v27, v26;
	_ =	sdelay $0x1  }
0x19d: {  	v33 =	vadd.f32 v29, v28;
	v11 =	vadd.f32 v32, v8;
	_ =	sdelay $0x1  }
0x19e: {  	v34 =	vadd.f32 v31, v30;
	v11 =	vadd.f32 v33, v11;
	_ =	sdelay $0x1  }
0x19f: {  	v11 =	vadd.f32 v34, v11;
	_ =	sdelay $0x1  }
0x1a0: {  	(xrf2) =	vadd.scan.msk.f32 $0xffff, v11;
	_ =	sdelay $0x9  }
0x1a1: {  	v11, _, _ =	vpop (xrf2)  }
0x1a2: {  	v11 =	vmul.f32 $1.562500000e-02, v11;
	_ =	sdelay $0x1  }
0x1a3: {  	v11 =	vbroadcast v11, $0xF;
	_ =	sdelay $0x1  }
0x1a4: {  	v8 =	vsub.f32 v8, v11;
	v9 =	vsub.f32 v32, v11;
	_ =	sdelay $0x1  }
0x1a5: {  	v10 =	vsub.f32 v33, v11;
	v35 =	vmul.f32 v8, v8;
	v36 =	vmul.f32 v9, v9;
	_ =	sdelay $0x1  }
0x1a6: {  	v11 =	vsub.f32 v34, v11;
	v38 =	vmul.f32 v10, v10;
	v37 =	vadd.f32 v36, v35;
	_ =	sdelay $0x1  }
0x1a7: {  	v39 =	vmul.f32 v11, v11;
	v12 =	vadd.f32 v37, v38;
	_ =	sdelay $0x1  }
0x1a8: {  	v12 =	vadd.f32 v12, v39;
	_ =	sdelay $0x1  }
0x1a9: {  	(xrf2) =	vadd.scan.msk.f32 $0xffff, v12;
	_ =	sdelay $0x9  }
0x1aa: {  	v12, _, _ =	vpop (xrf2)  }
0x1ab: {  	v12 =	vmul.f32 $1.562500000e-02, v12;
	_ =	sdelay $0x1  }
0x1ac: {  	v12 =	vadd.f32 $9.999999740e-06, v12;
	_ =	sdelay $0x1  }
0x1ad: {  	v12 =	vbroadcast v12, $0xF;
	_ =	sdelay $0x1  }
0x1ae: {  	v40 =	vshrl.u32 v12, $0x1;
	v12 =	vmul.f32 $-5.000000000e-01, v12  }
0x1af: {  	v13 =	vsub.s32 $0x5F3759DF, v40  }
0x1b0: {  	v41 =	vmul.f32 v13, v12;
	_ =	sdelay $0x1  }
0x1b1: {  	v14 =	vmul.f32 v13, v41;
	_ =	sdelay $0x1  }
0x1b2: {  	v14 =	vadd.f32 $1.500000000e+00, v14;
	_ =	sdelay $0x1  }
0x1b3: {  	v13 =	vmul.f32 v13, v14;
	_ =	sdelay $0x1  }
0x1b4: {  	v14 =	vmul.f32 v13, v12;
	_ =	sdelay $0x1  }
0x1b5: {  	v14 =	vmul.f32 v14, v13;
	_ =	sdelay $0x1  }
0x1b6: {  	v14 =	vadd.f32 $1.500000000e+00, v14;
	_ =	sdelay $0x1  }
0x1b7: {  	v13 =	vmul.f32 v14, v13;
	_ =	sdelay $0x1  }
0x1b8: {  	v12 =	vmul.f32 v13, v12;
	_ =	sdelay $0x1  }
0x1b9: {  	v12 =	vmul.f32 v12, v13;
	_ =	sdelay $0x1  }
0x1ba: {  	v12 =	vadd.f32 $1.500000000e+00, v12;
	_ =	sdelay $0x1  }
0x1bb: {  	v12 =	vmul.f32 v12, v13;
	_ =	sdelay $0x1  }
0x1bc: {  	v13 =	vmul.f32 v12, v0  }
0x1bd: {  	v42 =	vmul.f32 v12, v1;
	v43 =	vmul.f32 v12, v2  }
0x1be: {  	s31 =	sadd.s32 $0x5999B, s25;
	v12 =	vmul.f32 v12, v3;
	v8 =	vmul.f32 v13, v8  }
0x1bf: {  	s0 =	sshrl.u32 s31, $0x14;
	v9 =	vmul.f32 v42, v9  }
0x1c0: {  	s0 =	smul.u32 $0x14, s0;
	v11 =	vmul.f32 v12, v11;
	v8 =	vadd.f32 v8, v4  }
0x1c1: {  	v10 =	vmul.f32 v43, v10;
	v9 =	vadd.f32 v9, v5  }
0x1c2: {  	s0 =	ssub.s32 s24, s0;
	v44 =	vadd.f32 v11, v7;
	[tilespmem:s20+$0x0] =	vst v8  }
0x1c3: {  	s0 =	sshll.u32 s0, $0x7;
	v8 =	vadd.f32 v10, v6;
	[tilespmem:s20+$0x10] =	vst v9  }
0x1c4: {  	v45 =	vld [tilespmem:s20+$0x90];
	s0 =	sadd.s32 $0x380, s0;
	[tilespmem:s20+$0x30] =	vst v44  }
0x1c5: {  	s0 =	sand.u32 $0xFF80, s0;
	[tilespmem:s20+$0x20] =	vst v8;
	v8 =	vld [tilespmem:s20+$0x80]  }
0x1c6: {  	v9 =	vld [tilespmem:s0+$0x14A00]  }
0x1c7: {  	v46 =	vld [tilespmem:s0+$0x14A10]  }
0x1c8: {  	v47 =	vld [tilespmem:s20+$0xA0]  }
0x1c9: {  	v48 =	vld [tilespmem:s0+$0x14A20]  }
0x1ca: {  	v49 =	vld [tilespmem:s20+$0xB0]  }
0x1cb: {  	v50 =	vld [tilespmem:s0+$0x14A30]  }
0x1cc: {  	v8 =	vadd.f32 v9, v8;
	v51 =	vadd.f32 v46, v45;
	_ =	sdelay $0x1  }
0x1cd: {  	v52 =	vadd.f32 v48, v47;
	v11 =	vadd.f32 v51, v8;
	_ =	sdelay $0x1  }
0x1ce: {  	v53 =	vadd.f32 v50, v49;
	v11 =	vadd.f32 v52, v11;
	_ =	sdelay $0x1  }
0x1cf: {  	v11 =	vadd.f32 v53, v11;
	_ =	sdelay $0x1  }
0x1d0: {  	(xrf2) =	vadd.scan.msk.f32 $0xffff, v11;
	_ =	sdelay $0x9  }
0x1d1: {  	v11, _, _ =	vpop (xrf2)  }
0x1d2: {  	v11 =	vmul.f32 $1.562500000e-02, v11;
	_ =	sdelay $0x1  }
0x1d3: {  	v11 =	vbroadcast v11, $0xF;
	_ =	sdelay $0x1  }
0x1d4: {  	v8 =	vsub.f32 v8, v11;
	v9 =	vsub.f32 v51, v11;
	_ =	sdelay $0x1  }
0x1d5: {  	v10 =	vsub.f32 v52, v11;
	v54 =	vmul.f32 v8, v8;
	v55 =	vmul.f32 v9, v9;
	_ =	sdelay $0x1  }
0x1d6: {  	v11 =	vsub.f32 v53, v11;
	v57 =	vmul.f32 v10, v10;
	v56 =	vadd.f32 v55, v54;
	_ =	sdelay $0x1  }
0x1d7: {  	v58 =	vmul.f32 v11, v11;
	v12 =	vadd.f32 v56, v57;
	_ =	sdelay $0x1  }
0x1d8: {  	v12 =	vadd.f32 v12, v58;
	_ =	sdelay $0x1  }
0x1d9: {  	(xrf2) =	vadd.scan.msk.f32 $0xffff, v12;
	_ =	sdelay $0x9  }
0x1da: {  	v12, _, _ =	vpop (xrf2)  }
0x1db: {  	v12 =	vmul.f32 $1.562500000e-02, v12;
	_ =	sdelay $0x1  }
0x1dc: {  	v12 =	vadd.f32 $9.999999740e-06, v12;
	_ =	sdelay $0x1  }
0x1dd: {  	v12 =	vbroadcast v12, $0xF;
	_ =	sdelay $0x1  }
0x1de: {  	v59 =	vshrl.u32 v12, $0x1;
	v12 =	vmul.f32 $-5.000000000e-01, v12  }
0x1df: {  	v13 =	vsub.s32 $0x5F3759DF, v59  }
0x1e0: {  	v60 =	vmul.f32 v13, v12;
	_ =	sdelay $0x1  }
0x1e1: {  	v14 =	vmul.f32 v13, v60;
	_ =	sdelay $0x1  }
0x1e2: {  	v14 =	vadd.f32 $1.500000000e+00, v14;
	_ =	sdelay $0x1  }
0x1e3: {  	v13 =	vmul.f32 v13, v14;
	_ =	sdelay $0x1  }
0x1e4: {  	v14 =	vmul.f32 v13, v12;
	_ =	sdelay $0x1  }
0x1e5: {  	v14 =	vmul.f32 v14, v13;
	_ =	sdelay $0x1  }
0x1e6: {  	v14 =	vadd.f32 $1.500000000e+00, v14;
	_ =	sdelay $0x1  }
0x1e7: {  	v13 =	vmul.f32 v14, v13;
	_ =	sdelay $0x1  }
0x1e8: {  	v12 =	vmul.f32 v13, v12;
	_ =	sdelay $0x1  }
0x1e9: {  	v12 =	vmul.f32 v12, v13;
	_ =	sdelay $0x1  }
0x1ea: {  	v12 =	vadd.f32 $1.500000000e+00, v12;
	_ =	sdelay $0x1  }
0x1eb: {  	v12 =	vmul.f32 v12, v13;
	_ =	sdelay $0x1  }
0x1ec: {  	v13 =	vmul.f32 v12, v0  }
0x1ed: {  	v61 =	vmul.f32 v12, v1;
	v62 =	vmul.f32 v12, v2  }
0x1ee: {  	v12 =	vmul.f32 v12, v3;
	v8 =	vmul.f32 v13, v8  }
0x1ef: {  	v9 =	vmul.f32 v61, v9  }
0x1f0: {  	p2 =	slt.u32 s23, $0x13C;
	v11 =	vmul.f32 v12, v11;
	v8 =	vadd.f32 v8, v4  }
.Ltmp4:
0x1f1: {  	v10 =	vmul.f32 v62, v10;
	v9 =	vadd.f32 v9, v5;
	(pc) =	sbr.rel @p2 .LBB2_11-.Ltmp4, $4  }
0x1f2: {  	v63 =	vadd.f32 v11, v7;
	[tilespmem:s20+$0x80] =	vst v8  }
0x1f3: {  	v8 =	vadd.f32 v10, v6;
	[tilespmem:s20+$0x90] =	vst v9  }
0x1f4: {  	[tilespmem:s20+$0xB0] =	vst v63  }
0x1f5: {  	s24 =	smov.u32 s23;
	[tilespmem:s20+$0xA0] =	vst v8;
	s20 =	sadd.s32 $0x200, s20  }
0x1f6: {  	s0 =	smul.u32 $0x140, s18;
	_ =	sdelay $0x1  }
0x1f7: {  	s0 =	sadd.s32 s8, s0  }
0x1f8: {  	p2 =	sne.s32 s21, $0x8;
	s0 =	sshll.u32 s0, $0x4  }
.Ltmp5:
0x1f9: {  	s0 =	sadd.s32 s13, s0;
	(pc) =	sbr.rel @p2 .LBB2_4-.Ltmp5, $4  }
0x1fa: {  	[hbm4b:s0+s5] =	stream.linear.scatter [tilespmem:s22], [sflag:$0x3], $0xA000, $0x38;
	[tilespmem:$0x15700] =	vst v63  }
0x1fb: {  	_ =	swait.ge [sflag:s9], $0xA000  }
0x1fc: {  	p0 =	por !p0, !p0;
	s19 =	sadd.s32 $0x140, s19;
	[sflag:s9] =	ssyncset.done $0x0  }
0x1fd: {  	p1 =	por !p1, !p1;
	s18 =	smov.u32 s21;
	[sflag:s9] =	ssyncadd.s32 $0xFFFF6000  }
0x1fe: {  	s1 =	rddreg [dreg:$0xa]  }
0x1ff: {  	s0 =	rddreg [dreg:$0x9];
	s1 =	sadd.s32 $0x1, s1  }
0x200: {  	p0 =	sne.s32 s1, s0  }
.Ltmp6:
0x201: {  	_ = 	snop;
	(pc) =	sbr.rel @p0 .LBB2_1-.Ltmp6, $1  }
0x202: {  	_ =	sdelay $0x3  }
0x203: {  	_ =	sfence.sel $0x180000  }
0x204: {  	[bflag:$0x0] =	sbarrier.arrive $0xFFFF  }
0x205: {  	_ =	strace $0x90000047  }
0x206: {  	s0 =	stileid.u32;
	[bflag:$0x2] =	sbarrier.arrive $0xFFFF  }
0x207: {  	p0 =	sne.s32 s0, $0x0;
	s0 =	rddreg [dreg:$0x5]  }
0x208: {  	s0 =	sadd.s32 @!p0 $0x100000, s0  }
0x209: {  	[sflag:s0] =	ssyncadd.tile.s32 @!p0 $0x1;
	_ =	shalt  }
.Lfunc_end2:
_tile_overlayer_lowered:
.L_overlay_start_2:
0x20a: {  	(tag) =	ssettag $0x2  }
0x20b: {  	s0 =	rddreg [dreg:$0x0];
	s2 =	stileid.u32  }
0x20c: {  	s1 =	rddreg [dreg:$0x1];
	p0 =	sne.s32 s2, $0x0  }
0x20d: {  	s3 =	rddreg [dreg:$0x2];
	[bflag:$0x3] =	sbarrier.arrive $0xFFFF;
	s2 =	simm.s32 @!p0 $0x1C03  }
0x20e: {  	[timem:s3], [sflag:s2] =	dma.local @!p0 [hbm:s0], s1  }
0x20f: {  	s0 =	simm.s32 @!p0 $0x3  }
0x210: {  	_ =	swait.ge @!p0 [sflag:s0], s1  }
0x211: {  	s1 =	ssub.s32 @!p0 $0x0, s1;
	[sflag:s0] =	ssyncset.done @!p0 $0x0  }
0x212: {  	[sflag:s0] =	ssyncadd.s32 @!p0 s1  }
0x213: {  	[bflag:$0x3] =	sbarrier.arrive $0xFFFF  }
0x214: {  	_ =	shalt  }

</sc_bundles>
